<compile_context>
chip_gen: v7x
topology: tpu7x:2x2x1
jax: 0.10.2.dev20260603
libtpu: 0.0.44.dev20260713+nightly
codegen_flags: <defaults>
</compile_context>

<pallas_src>
import functools

import jax
import jax.numpy as jnp
from jax import lax
from jax.experimental import pallas as pl
from jax.experimental.pallas import tpu as pltpu
from jax.experimental.pallas import tpu_sc as plsc

_B, _T, _D = 4, 2048, 1024
_NW = 32
_ROWS_W = _T // _NW
_CR = 16
_CHUNK = _CR * _D
_NQ = _ROWS_W // _CR
_NCHUNK = _NQ * _B
_NBUF = 5


def _sc_add(x_hbm, pos_hbm, out_hbm, pb0, pb1, xb0, xb1, xb2, xb3, xb4,
            psem0, psem1, isem0, isem1, isem2, isem3, isem4,
            osem0, osem1, osem2, osem3, osem4):
    p_bufs = (pb0, pb1)
    p_sems = (psem0, psem1)
    x_bufs = (xb0, xb1, xb2, xb3, xb4)
    in_sems = (isem0, isem1, isem2, isem3, isem4)
    out_sems = (osem0, osem1, osem2, osem3, osem4)
    nc = plsc.get_sparse_core_info().num_cores
    wid = lax.axis_index("s") * nc + lax.axis_index("c")
    row0 = pl.multiple_of(wid * _ROWS_W, _ROWS_W)

    def pos_copy(q):
        r = pl.multiple_of(row0 + q * _CR, _CR)
        return pltpu.async_copy(pos_hbm.at[pl.ds(r, _CR), :],
                                p_bufs[q % 2], p_sems[q % 2])

    def add_loop(k, q):
        xb, pb = x_bufs[k], p_bufs[q % 2]

        @plsc.parallel_loop(0, _CHUNK, step=16, unroll=8)
        def body(i):
            r = i >> 10
            c = pl.multiple_of(i & 1023, 16)
            plsc.addupdate(xb.at[r, pl.ds(c, 16)], pb[r, pl.ds(c, 16)])

    def chunk_slice(ref, g):
        q, b = g // _B, g % _B
        r = pl.multiple_of(row0 + q * _CR, _CR)
        return ref.at[b, pl.ds(r, _CR), :]

    in_copies = [None] * _NCHUNK
    out_copies = [None] * _NCHUNK
    pos_copies = [None] * _NQ
    pos_copies[0] = pos_copy(0)
    for g in range(_NBUF - 1):
        in_copies[g] = pltpu.async_copy(
            chunk_slice(x_hbm, g), x_bufs[g % _NBUF], in_sems[g % _NBUF])
    for g in range(_NCHUNK):
        q, b, k = g // _B, g % _B, g % _NBUF
        if b == 0:
            pos_copies[q].wait()
            if q + 1 < _NQ:
                pos_copies[q + 1] = pos_copy(q + 1)
        in_copies[g].wait()
        add_loop(k, q)
        out_copies[g] = pltpu.async_copy(
            x_bufs[k], chunk_slice(out_hbm, g), out_sems[k])
        nxt = g + _NBUF - 1
        if nxt < _NCHUNK:
            if g >= 1:
                out_copies[g - 1].wait()
            in_copies[nxt] = pltpu.async_copy(
                chunk_slice(x_hbm, nxt), x_bufs[nxt % _NBUF],
                in_sems[nxt % _NBUF])
    for g in range(_NCHUNK - _NBUF, _NCHUNK):
        out_copies[g].wait()


def kernel(x, pos_table):
    B, T, D = x.shape
    mesh = plsc.VectorSubcoreMesh(core_axis_name="c", subcore_axis_name="s")
    run = functools.partial(
        pl.kernel,
        mesh=mesh,
        out_type=jax.ShapeDtypeStruct((B, T, D), jnp.float32),
        scratch_types=(
            [pltpu.VMEM((_CR, _D), jnp.float32)] * (2 + _NBUF)
            + [pltpu.SemaphoreType.DMA] * (2 + 2 * _NBUF)
        ),
    )(_sc_add)
    return run(x, pos_table)

# --- scband reference (transcript-rebuilt; emitter-appended) ---
"""Pipeline reference for scband-positional-embeddings-30116310679623 (READ-ONLY COPY).

The authoritative reference and input builder live on the scoring server;
editing this copy changes nothing except your own understanding.
"""

import jax, jax.numpy as jnp
import numpy as np

MAX_MEL_TIME = 4096
EMBEDDING_SIZE = 1024

def setup_inputs(seed: int = 0) -> dict:
    key = jax.random.key(seed)
    k1, k2 = jax.random.split(key)
    x = jax.random.normal(k1, (4, 2048, EMBEDDING_SIZE), dtype=jnp.float32)
    # nn.Embedding weight: normal(0,1) init
    pos_table = jax.random.normal(k2, (MAX_MEL_TIME, EMBEDDING_SIZE), dtype=jnp.float32)
    return {"x": x, "pos_table": pos_table}

def reference(x, pos_table):
    # x1 = embedding(arange(max_mel_time)) -> full table gather
    idx = jnp.arange(MAX_MEL_TIME)
    x1 = jnp.take(pos_table, idx, axis=0)
    # x + x1[:x.shape[1]] broadcasts over batch
    return x + x1[: x.shape[1]]

if __name__ == "__main__":
    import jax
    _d = setup_inputs()
    print(jax.jit(kernel)(*tuple(_d.values())))

</pallas_src>

<mosaic_0001>
#map = affine_map<(d0, d1) -> (0, 0, 0)>
#map1 = affine_map<(d0, d1) -> (0, 0)>
module attributes {stable_mosaic.version = 14 : i64} {
  func.func @_sc_add(%arg0: i32, %arg1: i32, %arg2: memref<4x2048x1024xf32, #tpu.memory_space<hbm>>, %arg3: memref<4096x1024xf32, #tpu.memory_space<hbm>>, %arg4: memref<4x2048x1024xf32, #tpu.memory_space<hbm>>, %arg5: memref<16x1024xf32, #tpu.memory_space<vmem>>, %arg6: memref<16x1024xf32, #tpu.memory_space<vmem>>, %arg7: memref<16x1024xf32, #tpu.memory_space<vmem>>, %arg8: memref<16x1024xf32, #tpu.memory_space<vmem>>, %arg9: memref<16x1024xf32, #tpu.memory_space<vmem>>, %arg10: memref<16x1024xf32, #tpu.memory_space<vmem>>, %arg11: memref<16x1024xf32, #tpu.memory_space<vmem>>, %arg12: memref<!tpu.dma_semaphore, #tpu.memory_space<semaphore_mem>>, %arg13: memref<!tpu.dma_semaphore, #tpu.memory_space<semaphore_mem>>, %arg14: memref<!tpu.dma_semaphore, #tpu.memory_space<semaphore_mem>>, %arg15: memref<!tpu.dma_semaphore, #tpu.memory_space<semaphore_mem>>, %arg16: memref<!tpu.dma_semaphore, #tpu.memory_space<semaphore_mem>>, %arg17: memref<!tpu.dma_semaphore, #tpu.memory_space<semaphore_mem>>, %arg18: memref<!tpu.dma_semaphore, #tpu.memory_space<semaphore_mem>>, %arg19: memref<!tpu.dma_semaphore, #tpu.memory_space<semaphore_mem>>, %arg20: memref<!tpu.dma_semaphore, #tpu.memory_space<semaphore_mem>>, %arg21: memref<!tpu.dma_semaphore, #tpu.memory_space<semaphore_mem>>, %arg22: memref<!tpu.dma_semaphore, #tpu.memory_space<semaphore_mem>>, %arg23: memref<!tpu.dma_semaphore, #tpu.memory_space<semaphore_mem>>) attributes {dimension_semantics = [#tpu.dimension_semantics<core_parallel>, #tpu.dimension_semantics<subcore_parallel>], iteration_bounds = array<i64: 2, 16>, scalar_prefetch = 0 : i64, scratch_operands = 19 : i64, tpu.core_type = #tpu.core_type<sc_vector_subcore>, window_params = [{transform_indices = #map}, {transform_indices = #map1}, {transform_indices = #map}]} {
    %mul3A = arith.constant 2 : i32
    %mul3A_0 = arith.muli %arg1, %mul3A : i32
    %add3A = arith.addi %mul3A_0, %arg0 : i32
    %mul3A_1 = arith.constant 64 : i32
    %mul3A_2 = arith.muli %add3A, %mul3A_1 : i32
    %multiple_of3A = tpu.assume_multiple %mul3A_2, 64 : i32
    %add3A_3 = arith.constant 0 : i32
    %add3A_4 = arith.addi %multiple_of3A, %add3A_3 : i32
    %multiple_of3A_5 = tpu.assume_multiple %add3A_4, 16 : i32
    %dma_start3A = arith.constant 0 : i32
    %dma_start3A_6 = tpu.memref_slice %arg3[%multiple_of3A_5, %dma_start3A] : memref<4096x1024xf32, #tpu.memory_space<hbm>> -> memref<16x1024xf32, #tpu.memory_space<hbm>>
    %dma_start3A_7 = arith.constant 0 : i32
    %dma_start3A_8 = tpu.memref_slice %arg3[%multiple_of3A_5, %dma_start3A_7] : memref<4096x1024xf32, #tpu.memory_space<hbm>> -> memref<16x1024xf32, #tpu.memory_space<hbm>>
    tpu.enqueue_dma source(%dma_start3A_8 : memref<16x1024xf32, #tpu.memory_space<hbm>>) target(%arg5 : memref<16x1024xf32, #tpu.memory_space<vmem>>) target_semaphore(%arg12 : memref<!tpu.dma_semaphore, #tpu.memory_space<semaphore_mem>>)
    %add3A_9 = arith.constant 0 : i32
    %add3A_10 = arith.addi %multiple_of3A, %add3A_9 : i32
    %multiple_of3A_11 = tpu.assume_multiple %add3A_10, 16 : i32
    %dma_start3A_12 = arith.constant 0 : i32
    %dma_start3A_13 = arith.constant 0 : i32
    %dma_start3A_14 = tpu.memref_slice %arg2[%dma_start3A_12, %multiple_of3A_11, %dma_start3A_13] : memref<4x2048x1024xf32, #tpu.memory_space<hbm>> -> memref<1x16x1024xf32, #tpu.memory_space<hbm>>
    %dma_start3A_15 = tpu.memref_squeeze %dma_start3A_14 : memref<1x16x1024xf32, #tpu.memory_space<hbm>> -> memref<16x1024xf32, #tpu.memory_space<hbm>>
    %dma_start3A_16 = arith.constant 0 : i32
    %dma_start3A_17 = tpu.memref_slice %arg2[%dma_start3A_12, %multiple_of3A_11, %dma_start3A_16] : memref<4x2048x1024xf32, #tpu.memory_space<hbm>> -> memref<1x16x1024xf32, #tpu.memory_space<hbm>>
    %dma_start3A_18 = tpu.memref_squeeze %dma_start3A_17 : memref<1x16x1024xf32, #tpu.memory_space<hbm>> -> memref<16x1024xf32, #tpu.memory_space<hbm>>
    tpu.enqueue_dma source(%dma_start3A_18 : memref<16x1024xf32, #tpu.memory_space<hbm>>) target(%arg7 : memref<16x1024xf32, #tpu.memory_space<vmem>>) target_semaphore(%arg14 : memref<!tpu.dma_semaphore, #tpu.memory_space<semaphore_mem>>)
    %add3A_19 = arith.constant 0 : i32
    %add3A_20 = arith.addi %multiple_of3A, %add3A_19 : i32
    %multiple_of3A_21 = tpu.assume_multiple %add3A_20, 16 : i32
    %dma_start3A_22 = arith.constant 1 : i32
    %dma_start3A_23 = arith.constant 0 : i32
    %dma_start3A_24 = tpu.memref_slice %arg2[%dma_start3A_22, %multiple_of3A_21, %dma_start3A_23] : memref<4x2048x1024xf32, #tpu.memory_space<hbm>> -> memref<1x16x1024xf32, #tpu.memory_space<hbm>>
    %dma_start3A_25 = tpu.memref_squeeze %dma_start3A_24 : memref<1x16x1024xf32, #tpu.memory_space<hbm>> -> memref<16x1024xf32, #tpu.memory_space<hbm>>
    %dma_start3A_26 = arith.constant 0 : i32
    %dma_start3A_27 = tpu.memref_slice %arg2[%dma_start3A_22, %multiple_of3A_21, %dma_start3A_26] : memref<4x2048x1024xf32, #tpu.memory_space<hbm>> -> memref<1x16x1024xf32, #tpu.memory_space<hbm>>
    %dma_start3A_28 = tpu.memref_squeeze %dma_start3A_27 : memref<1x16x1024xf32, #tpu.memory_space<hbm>> -> memref<16x1024xf32, #tpu.memory_space<hbm>>
    tpu.enqueue_dma source(%dma_start3A_28 : memref<16x1024xf32, #tpu.memory_space<hbm>>) target(%arg8 : memref<16x1024xf32, #tpu.memory_space<vmem>>) target_semaphore(%arg15 : memref<!tpu.dma_semaphore, #tpu.memory_space<semaphore_mem>>)
    %add3A_29 = arith.constant 0 : i32
    %add3A_30 = arith.addi %multiple_of3A, %add3A_29 : i32
    %multiple_of3A_31 = tpu.assume_multiple %add3A_30, 16 : i32
    %dma_start3A_32 = arith.constant 2 : i32
    %dma_start3A_33 = arith.constant 0 : i32
    %dma_start3A_34 = tpu.memref_slice %arg2[%dma_start3A_32, %multiple_of3A_31, %dma_start3A_33] : memref<4x2048x1024xf32, #tpu.memory_space<hbm>> -> memref<1x16x1024xf32, #tpu.memory_space<hbm>>
    %dma_start3A_35 = tpu.memref_squeeze %dma_start3A_34 : memref<1x16x1024xf32, #tpu.memory_space<hbm>> -> memref<16x1024xf32, #tpu.memory_space<hbm>>
    %dma_start3A_36 = arith.constant 0 : i32
    %dma_start3A_37 = tpu.memref_slice %arg2[%dma_start3A_32, %multiple_of3A_31, %dma_start3A_36] : memref<4x2048x1024xf32, #tpu.memory_space<hbm>> -> memref<1x16x1024xf32, #tpu.memory_space<hbm>>
    %dma_start3A_38 = tpu.memref_squeeze %dma_start3A_37 : memref<1x16x1024xf32, #tpu.memory_space<hbm>> -> memref<16x1024xf32, #tpu.memory_space<hbm>>
    tpu.enqueue_dma source(%dma_start3A_38 : memref<16x1024xf32, #tpu.memory_space<hbm>>) target(%arg9 : memref<16x1024xf32, #tpu.memory_space<vmem>>) target_semaphore(%arg16 : memref<!tpu.dma_semaphore, #tpu.memory_space<semaphore_mem>>)
    %add3A_39 = arith.constant 0 : i32
    %add3A_40 = arith.addi %multiple_of3A, %add3A_39 : i32
    %multiple_of3A_41 = tpu.assume_multiple %add3A_40, 16 : i32
    %dma_start3A_42 = arith.constant 3 : i32
    %dma_start3A_43 = arith.constant 0 : i32
    %dma_start3A_44 = tpu.memref_slice %arg2[%dma_start3A_42, %multiple_of3A_41, %dma_start3A_43] : memref<4x2048x1024xf32, #tpu.memory_space<hbm>> -> memref<1x16x1024xf32, #tpu.memory_space<hbm>>
    %dma_start3A_45 = tpu.memref_squeeze %dma_start3A_44 : memref<1x16x1024xf32, #tpu.memory_space<hbm>> -> memref<16x1024xf32, #tpu.memory_space<hbm>>
    %dma_start3A_46 = arith.constant 0 : i32
    %dma_start3A_47 = tpu.memref_slice %arg2[%dma_start3A_42, %multiple_of3A_41, %dma_start3A_46] : memref<4x2048x1024xf32, #tpu.memory_space<hbm>> -> memref<1x16x1024xf32, #tpu.memory_space<hbm>>
    %dma_start3A_48 = tpu.memref_squeeze %dma_start3A_47 : memref<1x16x1024xf32, #tpu.memory_space<hbm>> -> memref<16x1024xf32, #tpu.memory_space<hbm>>
    tpu.enqueue_dma source(%dma_start3A_48 : memref<16x1024xf32, #tpu.memory_space<hbm>>) target(%arg10 : memref<16x1024xf32, #tpu.memory_space<vmem>>) target_semaphore(%arg17 : memref<!tpu.dma_semaphore, #tpu.memory_space<semaphore_mem>>)
    %dma_wait3A = arith.constant 0 : i32
    %dma_wait3A_49 = tpu.memref_slice %arg3[%multiple_of3A_5, %dma_wait3A] : memref<4096x1024xf32, #tpu.memory_space<hbm>> -> memref<16x1024xf32, #tpu.memory_space<hbm>>
    %dma_wait3A_50 = arith.constant 0 : i32
    %dma_wait3A_51 = tpu.memref_slice %arg3[%multiple_of3A_5, %dma_wait3A_50] : memref<4096x1024xf32, #tpu.memory_space<hbm>> -> memref<16x1024xf32, #tpu.memory_space<hbm>>
    tpu.wait_dma2 semaphore(%arg12 : memref<!tpu.dma_semaphore, #tpu.memory_space<semaphore_mem>>) src(%dma_wait3A_51 : memref<16x1024xf32, #tpu.memory_space<hbm>>) dst(%arg5 : memref<16x1024xf32, #tpu.memory_space<vmem>>)
    %add3A_52 = arith.constant 16 : i32
    %add3A_53 = arith.addi %multiple_of3A, %add3A_52 : i32
    %multiple_of3A_54 = tpu.assume_multiple %add3A_53, 16 : i32
    %dma_start3A_55 = arith.constant 0 : i32
    %dma_start3A_56 = tpu.memref_slice %arg3[%multiple_of3A_54, %dma_start3A_55] : memref<4096x1024xf32, #tpu.memory_space<hbm>> -> memref<16x1024xf32, #tpu.memory_space<hbm>>
    %dma_start3A_57 = arith.constant 0 : i32
    %dma_start3A_58 = tpu.memref_slice %arg3[%multiple_of3A_54, %dma_start3A_57] : memref<4096x1024xf32, #tpu.memory_space<hbm>> -> memref<16x1024xf32, #tpu.memory_space<hbm>>
    tpu.enqueue_dma source(%dma_start3A_58 : memref<16x1024xf32, #tpu.memory_space<hbm>>) target(%arg6 : memref<16x1024xf32, #tpu.memory_space<vmem>>) target_semaphore(%arg13 : memref<!tpu.dma_semaphore, #tpu.memory_space<semaphore_mem>>)
    %dma_wait3A_59 = arith.constant 0 : i32
    %dma_wait3A_60 = arith.constant 0 : i32
    %dma_wait3A_61 = tpu.memref_slice %arg2[%dma_wait3A_59, %multiple_of3A_11, %dma_wait3A_60] : memref<4x2048x1024xf32, #tpu.memory_space<hbm>> -> memref<1x16x1024xf32, #tpu.memory_space<hbm>>
    %dma_wait3A_62 = tpu.memref_squeeze %dma_wait3A_61 : memref<1x16x1024xf32, #tpu.memory_space<hbm>> -> memref<16x1024xf32, #tpu.memory_space<hbm>>
    %dma_wait3A_63 = arith.constant 0 : i32
    %dma_wait3A_64 = tpu.memref_slice %arg2[%dma_wait3A_59, %multiple_of3A_11, %dma_wait3A_63] : memref<4x2048x1024xf32, #tpu.memory_space<hbm>> -> memref<1x16x1024xf32, #tpu.memory_space<hbm>>
    %dma_wait3A_65 = tpu.memref_squeeze %dma_wait3A_64 : memref<1x16x1024xf32, #tpu.memory_space<hbm>> -> memref<16x1024xf32, #tpu.memory_space<hbm>>
    tpu.wait_dma2 semaphore(%arg14 : memref<!tpu.dma_semaphore, #tpu.memory_space<semaphore_mem>>) src(%dma_wait3A_65 : memref<16x1024xf32, #tpu.memory_space<hbm>>) dst(%arg7 : memref<16x1024xf32, #tpu.memory_space<vmem>>)
    %parallel_loop3A = arith.constant 0 : i32
    %parallel_loop3A_66 = arith.constant 16384 : i32
    %parallel_loop3A_67 = arith.constant 16 : i32
    scf.for %parallel_loop3A_636 = %parallel_loop3A to %parallel_loop3A_66 step %parallel_loop3A_67  : i32 {
      %parallel_loop3A_637 = arith.constant 10 : i32
      %parallel_loop3A_638 = arith.shrsi %parallel_loop3A_636, %parallel_loop3A_637 : i32
      %parallel_loop3A_639 = arith.constant 1023 : i32
      %parallel_loop3A_640 = arith.andi %parallel_loop3A_636, %parallel_loop3A_639 : i32
      %parallel_loop3A_641 = tpu.assume_multiple %parallel_loop3A_640, 16 : i32
      %parallel_loop3A_642 = arith.index_cast %parallel_loop3A_638 : i32 to index
      %parallel_loop3A_643 = arith.index_cast %parallel_loop3A_641 : i32 to index
      %parallel_loop3A_644 = tpu.vector_load %arg5[%parallel_loop3A_642, %parallel_loop3A_643] {strides = array<i32>} : memref<16x1024xf32, #tpu.memory_space<vmem>>, vector<1x16xf32>,
      %parallel_loop3A_645 = vector.shape_cast %parallel_loop3A_644 : vector<1x16xf32> to vector<16xf32>
      %parallel_loop3A_646 = arith.index_cast %parallel_loop3A_638 : i32 to index
      %parallel_loop3A_647 = arith.index_cast %parallel_loop3A_641 : i32 to index
      %parallel_loop3A_648 = tpu.vector_load %arg7[%parallel_loop3A_646, %parallel_loop3A_647] {strides = array<i32>} : memref<16x1024xf32, #tpu.memory_space<vmem>>, vector<1x16xf32>,
      %parallel_loop3A_649 = vector.shape_cast %parallel_loop3A_648 : vector<1x16xf32> to vector<16xf32>
      %parallel_loop3A_650 = vector.shape_cast %parallel_loop3A_645 : vector<16xf32> to vector<1x16xf32>
      tpu.vector_store %arg7[%parallel_loop3A_646, %parallel_loop3A_647], %parallel_loop3A_650 {add = true, strides = array<i32>} : memref<16x1024xf32, #tpu.memory_space<vmem>>, vector<1x16xf32>,
    } {sc.loop_unroll_factor = 8 : i64, sc.parallel_access}
    %add3A_68 = arith.constant 0 : i32
    %add3A_69 = arith.addi %multiple_of3A, %add3A_68 : i32
    %multiple_of3A_70 = tpu.assume_multiple %add3A_69, 16 : i32
    %dma_start3A_71 = arith.constant 0 : i32
    %dma_start3A_72 = arith.constant 0 : i32
    %dma_start3A_73 = tpu.memref_slice %arg4[%dma_start3A_71, %multiple_of3A_70, %dma_start3A_72] : memref<4x2048x1024xf32, #tpu.memory_space<hbm>> -> memref<1x16x1024xf32, #tpu.memory_space<hbm>>
    %dma_start3A_74 = tpu.memref_squeeze %dma_start3A_73 : memref<1x16x1024xf32, #tpu.memory_space<hbm>> -> memref<16x1024xf32, #tpu.memory_space<hbm>>
    %dma_start3A_75 = arith.constant 0 : i32
    %dma_start3A_76 = tpu.memref_slice %arg4[%dma_start3A_71, %multiple_of3A_70, %dma_start3A_75] : memref<4x2048x1024xf32, #tpu.memory_space<hbm>> -> memref<1x16x1024xf32, #tpu.memory_space<hbm>>
    %dma_start3A_77 = tpu.memref_squeeze %dma_start3A_76 : memref<1x16x1024xf32, #tpu.memory_space<hbm>> -> memref<16x1024xf32, #tpu.memory_space<hbm>>
    tpu.enqueue_dma source(%arg7 : memref<16x1024xf32, #tpu.memory_space<vmem>>) target(%dma_start3A_77 : memref<16x1024xf32, #tpu.memory_space<hbm>>) target_semaphore(%arg19 : memref<!tpu.dma_semaphore, #tpu.memory_space<semaphore_mem>>)
    %add3A_78 = arith.constant 16 : i32
    %add3A_79 = arith.addi %multiple_of3A, %add3A_78 : i32
    %multiple_of3A_80 = tpu.assume_multiple %add3A_79, 16 : i32
    %dma_start3A_81 = arith.constant 0 : i32
    %dma_start3A_82 = arith.constant 0 : i32
    %dma_start3A_83 = tpu.memref_slice %arg2[%dma_start3A_81, %multiple_of3A_80, %dma_start3A_82] : memref<4x2048x1024xf32, #tpu.memory_space<hbm>> -> memref<1x16x1024xf32, #tpu.memory_space<hbm>>
    %dma_start3A_84 = tpu.memref_squeeze %dma_start3A_83 : memref<1x16x1024xf32, #tpu.memory_space<hbm>> -> memref<16x1024xf32, #tpu.memory_space<hbm>>
    %dma_start3A_85 = arith.constant 0 : i32
    %dma_start3A_86 = tpu.memref_slice %arg2[%dma_start3A_81, %multiple_of3A_80, %dma_start3A_85] : memref<4x2048x1024xf32, #tpu.memory_space<hbm>> -> memref<1x16x1024xf32, #tpu.memory_space<hbm>>
    %dma_start3A_87 = tpu.memref_squeeze %dma_start3A_86 : memref<1x16x1024xf32, #tpu.memory_space<hbm>> -> memref<16x1024xf32, #tpu.memory_space<hbm>>
    tpu.enqueue_dma source(%dma_start3A_87 : memref<16x1024xf32, #tpu.memory_space<hbm>>) target(%arg11 : memref<16x1024xf32, #tpu.memory_space<vmem>>) target_semaphore(%arg18 : memref<!tpu.dma_semaphore, #tpu.memory_space<semaphore_mem>>)
    %dma_wait3A_88 = arith.constant 1 : i32
    %dma_wait3A_89 = arith.constant 0 : i32
    %dma_wait3A_90 = tpu.memref_slice %arg2[%dma_wait3A_88, %multiple_of3A_21, %dma_wait3A_89] : memref<4x2048x1024xf32, #tpu.memory_space<hbm>> -> memref<1x16x1024xf32, #tpu.memory_space<hbm>>
    %dma_wait3A_91 = tpu.memref_squeeze %dma_wait3A_90 : memref<1x16x1024xf32, #tpu.memory_space<hbm>> -> memref<16x1024xf32, #tpu.memory_space<hbm>>
    %dma_wait3A_92 = arith.constant 0 : i32
    %dma_wait3A_93 = tpu.memref_slice %arg2[%dma_wait3A_88, %multiple_of3A_21, %dma_wait3A_92] : memref<4x2048x1024xf32, #tpu.memory_space<hbm>> -> memref<1x16x1024xf32, #tpu.memory_space<hbm>>
    %dma_wait3A_94 = tpu.memref_squeeze %dma_wait3A_93 : memref<1x16x1024xf32, #tpu.memory_space<hbm>> -> memref<16x1024xf32, #tpu.memory_space<hbm>>
    tpu.wait_dma2 semaphore(%arg15 : memref<!tpu.dma_semaphore, #tpu.memory_space<semaphore_mem>>) src(%dma_wait3A_94 : memref<16x1024xf32, #tpu.memory_space<hbm>>) dst(%arg8 : memref<16x1024xf32, #tpu.memory_space<vmem>>)
    %parallel_loop3A_95 = arith.constant 0 : i32
    %parallel_loop3A_96 = arith.constant 16384 : i32
    %parallel_loop3A_97 = arith.constant 16 : i32
    scf.for %parallel_loop3A_636 = %parallel_loop3A_95 to %parallel_loop3A_96 step %parallel_loop3A_97  : i32 {
      %parallel_loop3A_637 = arith.constant 10 : i32
      %parallel_loop3A_638 = arith.shrsi %parallel_loop3A_636, %parallel_loop3A_637 : i32
      %parallel_loop3A_639 = arith.constant 1023 : i32
      %parallel_loop3A_640 = arith.andi %parallel_loop3A_636, %parallel_loop3A_639 : i32
      %parallel_loop3A_641 = tpu.assume_multiple %parallel_loop3A_640, 16 : i32
      %parallel_loop3A_642 = arith.index_cast %parallel_loop3A_638 : i32 to index
      %parallel_loop3A_643 = arith.index_cast %parallel_loop3A_641 : i32 to index
      %parallel_loop3A_644 = tpu.vector_load %arg5[%parallel_loop3A_642, %parallel_loop3A_643] {strides = array<i32>} : memref<16x1024xf32, #tpu.memory_space<vmem>>, vector<1x16xf32>,
      %parallel_loop3A_645 = vector.shape_cast %parallel_loop3A_644 : vector<1x16xf32> to vector<16xf32>
      %parallel_loop3A_646 = arith.index_cast %parallel_loop3A_638 : i32 to index
      %parallel_loop3A_647 = arith.index_cast %parallel_loop3A_641 : i32 to index
      %parallel_loop3A_648 = tpu.vector_load %arg8[%parallel_loop3A_646, %parallel_loop3A_647] {strides = array<i32>} : memref<16x1024xf32, #tpu.memory_space<vmem>>, vector<1x16xf32>,
      %parallel_loop3A_649 = vector.shape_cast %parallel_loop3A_648 : vector<1x16xf32> to vector<16xf32>
      %parallel_loop3A_650 = vector.shape_cast %parallel_loop3A_645 : vector<16xf32> to vector<1x16xf32>
      tpu.vector_store %arg8[%parallel_loop3A_646, %parallel_loop3A_647], %parallel_loop3A_650 {add = true, strides = array<i32>} : memref<16x1024xf32, #tpu.memory_space<vmem>>, vector<1x16xf32>,
    } {sc.loop_unroll_factor = 8 : i64, sc.parallel_access}
    %add3A_98 = arith.constant 0 : i32
    %add3A_99 = arith.addi %multiple_of3A, %add3A_98 : i32
    %multiple_of3A_100 = tpu.assume_multiple %add3A_99, 16 : i32
    %dma_start3A_101 = arith.constant 1 : i32
    %dma_start3A_102 = arith.constant 0 : i32
    %dma_start3A_103 = tpu.memref_slice %arg4[%dma_start3A_101, %multiple_of3A_100, %dma_start3A_102] : memref<4x2048x1024xf32, #tpu.memory_space<hbm>> -> memref<1x16x1024xf32, #tpu.memory_space<hbm>>
    %dma_start3A_104 = tpu.memref_squeeze %dma_start3A_103 : memref<1x16x1024xf32, #tpu.memory_space<hbm>> -> memref<16x1024xf32, #tpu.memory_space<hbm>>
    %dma_start3A_105 = arith.constant 0 : i32
    %dma_start3A_106 = tpu.memref_slice %arg4[%dma_start3A_101, %multiple_of3A_100, %dma_start3A_105] : memref<4x2048x1024xf32, #tpu.memory_space<hbm>> -> memref<1x16x1024xf32, #tpu.memory_space<hbm>>
    %dma_start3A_107 = tpu.memref_squeeze %dma_start3A_106 : memref<1x16x1024xf32, #tpu.memory_space<hbm>> -> memref<16x1024xf32, #tpu.memory_space<hbm>>
    tpu.enqueue_dma source(%arg8 : memref<16x1024xf32, #tpu.memory_space<vmem>>) target(%dma_start3A_107 : memref<16x1024xf32, #tpu.memory_space<hbm>>) target_semaphore(%arg20 : memref<!tpu.dma_semaphore, #tpu.memory_space<semaphore_mem>>)
    %dma_wait3A_108 = arith.constant 0 : i32
    %dma_wait3A_109 = arith.constant 0 : i32
    %dma_wait3A_110 = tpu.memref_slice %arg4[%dma_wait3A_108, %multiple_of3A_70, %dma_wait3A_109] : memref<4x2048x1024xf32, #tpu.memory_space<hbm>> -> memref<1x16x1024xf32, #tpu.memory_space<hbm>>
    %dma_wait3A_111 = tpu.memref_squeeze %dma_wait3A_110 : memref<1x16x1024xf32, #tpu.memory_space<hbm>> -> memref<16x1024xf32, #tpu.memory_space<hbm>>
    %dma_wait3A_112 = arith.constant 0 : i32
    %dma_wait3A_113 = tpu.memref_slice %arg4[%dma_wait3A_108, %multiple_of3A_70, %dma_wait3A_112] : memref<4x2048x1024xf32, #tpu.memory_space<hbm>> -> memref<1x16x1024xf32, #tpu.memory_space<hbm>>
    %dma_wait3A_114 = tpu.memref_squeeze %dma_wait3A_113 : memref<1x16x1024xf32, #tpu.memory_space<hbm>> -> memref<16x1024xf32, #tpu.memory_space<hbm>>
    tpu.wait_dma2 semaphore(%arg19 : memref<!tpu.dma_semaphore, #tpu.memory_space<semaphore_mem>>) src(%arg7 : memref<16x1024xf32, #tpu.memory_space<vmem>>) dst(%dma_wait3A_114 : memref<16x1024xf32, #tpu.memory_space<hbm>>)
    %add3A_115 = arith.constant 16 : i32
    %add3A_116 = arith.addi %multiple_of3A, %add3A_115 : i32
    %multiple_of3A_117 = tpu.assume_multiple %add3A_116, 16 : i32
    %dma_start3A_118 = arith.constant 1 : i32
    %dma_start3A_119 = arith.constant 0 : i32
    %dma_start3A_120 = tpu.memref_slice %arg2[%dma_start3A_118, %multiple_of3A_117, %dma_start3A_119] : memref<4x2048x1024xf32, #tpu.memory_space<hbm>> -> memref<1x16x1024xf32, #tpu.memory_space<hbm>>
    %dma_start3A_121 = tpu.memref_squeeze %dma_start3A_120 : memref<1x16x1024xf32, #tpu.memory_space<hbm>> -> memref<16x1024xf32, #tpu.memory_space<hbm>>
    %dma_start3A_122 = arith.constant 0 : i32
    %dma_start3A_123 = tpu.memref_slice %arg2[%dma_start3A_118, %multiple_of3A_117, %dma_start3A_122] : memref<4x2048x1024xf32, #tpu.memory_space<hbm>> -> memref<1x16x1024xf32, #tpu.memory_space<hbm>>
    %dma_start3A_124 = tpu.memref_squeeze %dma_start3A_123 : memref<1x16x1024xf32, #tpu.memory_space<hbm>> -> memref<16x1024xf32, #tpu.memory_space<hbm>>
    tpu.enqueue_dma source(%dma_start3A_124 : memref<16x1024xf32, #tpu.memory_space<hbm>>) target(%arg7 : memref<16x1024xf32, #tpu.memory_space<vmem>>) target_semaphore(%arg14 : memref<!tpu.dma_semaphore, #tpu.memory_space<semaphore_mem>>)
    %dma_wait3A_125 = arith.constant 2 : i32
    %dma_wait3A_126 = arith.constant 0 : i32
    %dma_wait3A_127 = tpu.memref_slice %arg2[%dma_wait3A_125, %multiple_of3A_31, %dma_wait3A_126] : memref<4x2048x1024xf32, #tpu.memory_space<hbm>> -> memref<1x16x1024xf32, #tpu.memory_space<hbm>>
    %dma_wait3A_128 = tpu.memref_squeeze %dma_wait3A_127 : memref<1x16x1024xf32, #tpu.memory_space<hbm>> -> memref<16x1024xf32, #tpu.memory_space<hbm>>
    %dma_wait3A_129 = arith.constant 0 : i32
    %dma_wait3A_130 = tpu.memref_slice %arg2[%dma_wait3A_125, %multiple_of3A_31, %dma_wait3A_129] : memref<4x2048x1024xf32, #tpu.memory_space<hbm>> -> memref<1x16x1024xf32, #tpu.memory_space<hbm>>
    %dma_wait3A_131 = tpu.memref_squeeze %dma_wait3A_130 : memref<1x16x1024xf32, #tpu.memory_space<hbm>> -> memref<16x1024xf32, #tpu.memory_space<hbm>>
    tpu.wait_dma2 semaphore(%arg16 : memref<!tpu.dma_semaphore, #tpu.memory_space<semaphore_mem>>) src(%dma_wait3A_131 : memref<16x1024xf32, #tpu.memory_space<hbm>>) dst(%arg9 : memref<16x1024xf32, #tpu.memory_space<vmem>>)
    %parallel_loop3A_132 = arith.constant 0 : i32
    %parallel_loop3A_133 = arith.constant 16384 : i32
    %parallel_loop3A_134 = arith.constant 16 : i32
    scf.for %parallel_loop3A_636 = %parallel_loop3A_132 to %parallel_loop3A_133 step %parallel_loop3A_134  : i32 {
      %parallel_loop3A_637 = arith.constant 10 : i32
      %parallel_loop3A_638 = arith.shrsi %parallel_loop3A_636, %parallel_loop3A_637 : i32
      %parallel_loop3A_639 = arith.constant 1023 : i32
      %parallel_loop3A_640 = arith.andi %parallel_loop3A_636, %parallel_loop3A_639 : i32
      %parallel_loop3A_641 = tpu.assume_multiple %parallel_loop3A_640, 16 : i32
      %parallel_loop3A_642 = arith.index_cast %parallel_loop3A_638 : i32 to index
      %parallel_loop3A_643 = arith.index_cast %parallel_loop3A_641 : i32 to index
      %parallel_loop3A_644 = tpu.vector_load %arg5[%parallel_loop3A_642, %parallel_loop3A_643] {strides = array<i32>} : memref<16x1024xf32, #tpu.memory_space<vmem>>, vector<1x16xf32>,
      %parallel_loop3A_645 = vector.shape_cast %parallel_loop3A_644 : vector<1x16xf32> to vector<16xf32>
      %parallel_loop3A_646 = arith.index_cast %parallel_loop3A_638 : i32 to index
      %parallel_loop3A_647 = arith.index_cast %parallel_loop3A_641 : i32 to index
      %parallel_loop3A_648 = tpu.vector_load %arg9[%parallel_loop3A_646, %parallel_loop3A_647] {strides = array<i32>} : memref<16x1024xf32, #tpu.memory_space<vmem>>, vector<1x16xf32>,
      %parallel_loop3A_649 = vector.shape_cast %parallel_loop3A_648 : vector<1x16xf32> to vector<16xf32>
      %parallel_loop3A_650 = vector.shape_cast %parallel_loop3A_645 : vector<16xf32> to vector<1x16xf32>
      tpu.vector_store %arg9[%parallel_loop3A_646, %parallel_loop3A_647], %parallel_loop3A_650 {add = true, strides = array<i32>} : memref<16x1024xf32, #tpu.memory_space<vmem>>, vector<1x16xf32>,
    } {sc.loop_unroll_factor = 8 : i64, sc.parallel_access}
    %add3A_135 = arith.constant 0 : i32
    %add3A_136 = arith.addi %multiple_of3A, %add3A_135 : i32
    %multiple_of3A_137 = tpu.assume_multiple %add3A_136, 16 : i32
    %dma_start3A_138 = arith.constant 2 : i32
    %dma_start3A_139 = arith.constant 0 : i32
    %dma_start3A_140 = tpu.memref_slice %arg4[%dma_start3A_138, %multiple_of3A_137, %dma_start3A_139] : memref<4x2048x1024xf32, #tpu.memory_space<hbm>> -> memref<1x16x1024xf32, #tpu.memory_space<hbm>>
    %dma_start3A_141 = tpu.memref_squeeze %dma_start3A_140 : memref<1x16x1024xf32, #tpu.memory_space<hbm>> -> memref<16x1024xf32, #tpu.memory_space<hbm>>
    %dma_start3A_142 = arith.constant 0 : i32
    %dma_start3A_143 = tpu.memref_slice %arg4[%dma_start3A_138, %multiple_of3A_137, %dma_start3A_142] : memref<4x2048x1024xf32, #tpu.memory_space<hbm>> -> memref<1x16x1024xf32, #tpu.memory_space<hbm>>
    %dma_start3A_144 = tpu.memref_squeeze %dma_start3A_143 : memref<1x16x1024xf32, #tpu.memory_space<hbm>> -> memref<16x1024xf32, #tpu.memory_space<hbm>>
    tpu.enqueue_dma source(%arg9 : memref<16x1024xf32, #tpu.memory_space<vmem>>) target(%dma_start3A_144 : memref<16x1024xf32, #tpu.memory_space<hbm>>) target_semaphore(%arg21 : memref<!tpu.dma_semaphore, #tpu.memory_space<semaphore_mem>>)
    %dma_wait3A_145 = arith.constant 1 : i32
    %dma_wait3A_146 = arith.constant 0 : i32
    %dma_wait3A_147 = tpu.memref_slice %arg4[%dma_wait3A_145, %multiple_of3A_100, %dma_wait3A_146] : memref<4x2048x1024xf32, #tpu.memory_space<hbm>> -> memref<1x16x1024xf32, #tpu.memory_space<hbm>>
    %dma_wait3A_148 = tpu.memref_squeeze %dma_wait3A_147 : memref<1x16x1024xf32, #tpu.memory_space<hbm>> -> memref<16x1024xf32, #tpu.memory_space<hbm>>
    %dma_wait3A_149 = arith.constant 0 : i32
    %dma_wait3A_150 = tpu.memref_slice %arg4[%dma_wait3A_145, %multiple_of3A_100, %dma_wait3A_149] : memref<4x2048x1024xf32, #tpu.memory_space<hbm>> -> memref<1x16x1024xf32, #tpu.memory_space<hbm>>
    %dma_wait3A_151 = tpu.memref_squeeze %dma_wait3A_150 : memref<1x16x1024xf32, #tpu.memory_space<hbm>> -> memref<16x1024xf32, #tpu.memory_space<hbm>>
    tpu.wait_dma2 semaphore(%arg20 : memref<!tpu.dma_semaphore, #tpu.memory_space<semaphore_mem>>) src(%arg8 : memref<16x1024xf32, #tpu.memory_space<vmem>>) dst(%dma_wait3A_151 : memref<16x1024xf32, #tpu.memory_space<hbm>>)
    %add3A_152 = arith.constant 16 : i32
    %add3A_153 = arith.addi %multiple_of3A, %add3A_152 : i32
    %multiple_of3A_154 = tpu.assume_multiple %add3A_153, 16 : i32
    %dma_start3A_155 = arith.constant 2 : i32
    %dma_start3A_156 = arith.constant 0 : i32
    %dma_start3A_157 = tpu.memref_slice %arg2[%dma_start3A_155, %multiple_of3A_154, %dma_start3A_156] : memref<4x2048x1024xf32, #tpu.memory_space<hbm>> -> memref<1x16x1024xf32, #tpu.memory_space<hbm>>
    %dma_start3A_158 = tpu.memref_squeeze %dma_start3A_157 : memref<1x16x1024xf32, #tpu.memory_space<hbm>> -> memref<16x1024xf32, #tpu.memory_space<hbm>>
    %dma_start3A_159 = arith.constant 0 : i32
    %dma_start3A_160 = tpu.memref_slice %arg2[%dma_start3A_155, %multiple_of3A_154, %dma_start3A_159] : memref<4x2048x1024xf32, #tpu.memory_space<hbm>> -> memref<1x16x1024xf32, #tpu.memory_space<hbm>>
    %dma_start3A_161 = tpu.memref_squeeze %dma_start3A_160 : memref<1x16x1024xf32, #tpu.memory_space<hbm>> -> memref<16x1024xf32, #tpu.memory_space<hbm>>
    tpu.enqueue_dma source(%dma_start3A_161 : memref<16x1024xf32, #tpu.memory_space<hbm>>) target(%arg8 : memref<16x1024xf32, #tpu.memory_space<vmem>>) target_semaphore(%arg15 : memref<!tpu.dma_semaphore, #tpu.memory_space<semaphore_mem>>)
    %dma_wait3A_162 = arith.constant 3 : i32
    %dma_wait3A_163 = arith.constant 0 : i32
    %dma_wait3A_164 = tpu.memref_slice %arg2[%dma_wait3A_162, %multiple_of3A_41, %dma_wait3A_163] : memref<4x2048x1024xf32, #tpu.memory_space<hbm>> -> memref<1x16x1024xf32, #tpu.memory_space<hbm>>
    %dma_wait3A_165 = tpu.memref_squeeze %dma_wait3A_164 : memref<1x16x1024xf32, #tpu.memory_space<hbm>> -> memref<16x1024xf32, #tpu.memory_space<hbm>>
    %dma_wait3A_166 = arith.constant 0 : i32
    %dma_wait3A_167 = tpu.memref_slice %arg2[%dma_wait3A_162, %multiple_of3A_41, %dma_wait3A_166] : memref<4x2048x1024xf32, #tpu.memory_space<hbm>> -> memref<1x16x1024xf32, #tpu.memory_space<hbm>>
    %dma_wait3A_168 = tpu.memref_squeeze %dma_wait3A_167 : memref<1x16x1024xf32, #tpu.memory_space<hbm>> -> memref<16x1024xf32, #tpu.memory_space<hbm>>
    tpu.wait_dma2 semaphore(%arg17 : memref<!tpu.dma_semaphore, #tpu.memory_space<semaphore_mem>>) src(%dma_wait3A_168 : memref<16x1024xf32, #tpu.memory_space<hbm>>) dst(%arg10 : memref<16x1024xf32, #tpu.memory_space<vmem>>)
    %parallel_loop3A_169 = arith.constant 0 : i32
    %parallel_loop3A_170 = arith.constant 16384 : i32
    %parallel_loop3A_171 = arith.constant 16 : i32
    scf.for %parallel_loop3A_636 = %parallel_loop3A_169 to %parallel_loop3A_170 step %parallel_loop3A_171  : i32 {
      %parallel_loop3A_637 = arith.constant 10 : i32
      %parallel_loop3A_638 = arith.shrsi %parallel_loop3A_636, %parallel_loop3A_637 : i32
      %parallel_loop3A_639 = arith.constant 1023 : i32
      %parallel_loop3A_640 = arith.andi %parallel_loop3A_636, %parallel_loop3A_639 : i32
      %parallel_loop3A_641 = tpu.assume_multiple %parallel_loop3A_640, 16 : i32
      %parallel_loop3A_642 = arith.index_cast %parallel_loop3A_638 : i32 to index
      %parallel_loop3A_643 = arith.index_cast %parallel_loop3A_641 : i32 to index
      %parallel_loop3A_644 = tpu.vector_load %arg5[%parallel_loop3A_642, %parallel_loop3A_643] {strides = array<i32>} : memref<16x1024xf32, #tpu.memory_space<vmem>>, vector<1x16xf32>,
      %parallel_loop3A_645 = vector.shape_cast %parallel_loop3A_644 : vector<1x16xf32> to vector<16xf32>
      %parallel_loop3A_646 = arith.index_cast %parallel_loop3A_638 : i32 to index
      %parallel_loop3A_647 = arith.index_cast %parallel_loop3A_641 : i32 to index
      %parallel_loop3A_648 = tpu.vector_load %arg10[%parallel_loop3A_646, %parallel_loop3A_647] {strides = array<i32>} : memref<16x1024xf32, #tpu.memory_space<vmem>>, vector<1x16xf32>,
      %parallel_loop3A_649 = vector.shape_cast %parallel_loop3A_648 : vector<1x16xf32> to vector<16xf32>
      %parallel_loop3A_650 = vector.shape_cast %parallel_loop3A_645 : vector<16xf32> to vector<1x16xf32>
      tpu.vector_store %arg10[%parallel_loop3A_646, %parallel_loop3A_647], %parallel_loop3A_650 {add = true, strides = array<i32>} : memref<16x1024xf32, #tpu.memory_space<vmem>>, vector<1x16xf32>,
    } {sc.loop_unroll_factor = 8 : i64, sc.parallel_access}
    %add3A_172 = arith.constant 0 : i32
    %add3A_173 = arith.addi %multiple_of3A, %add3A_172 : i32
    %multiple_of3A_174 = tpu.assume_multiple %add3A_173, 16 : i32
    %dma_start3A_175 = arith.constant 3 : i32
    %dma_start3A_176 = arith.constant 0 : i32
    %dma_start3A_177 = tpu.memref_slice %arg4[%dma_start3A_175, %multiple_of3A_174, %dma_start3A_176] : memref<4x2048x1024xf32, #tpu.memory_space<hbm>> -> memref<1x16x1024xf32, #tpu.memory_space<hbm>>
    %dma_start3A_178 = tpu.memref_squeeze %dma_start3A_177 : memref<1x16x1024xf32, #tpu.memory_space<hbm>> -> memref<16x1024xf32, #tpu.memory_space<hbm>>
    %dma_start3A_179 = arith.constant 0 : i32
    %dma_start3A_180 = tpu.memref_slice %arg4[%dma_start3A_175, %multiple_of3A_174, %dma_start3A_179] : memref<4x2048x1024xf32, #tpu.memory_space<hbm>> -> memref<1x16x1024xf32, #tpu.memory_space<hbm>>
    %dma_start3A_181 = tpu.memref_squeeze %dma_start3A_180 : memref<1x16x1024xf32, #tpu.memory_space<hbm>> -> memref<16x1024xf32, #tpu.memory_space<hbm>>
    tpu.enqueue_dma source(%arg10 : memref<16x1024xf32, #tpu.memory_space<vmem>>) target(%dma_start3A_181 : memref<16x1024xf32, #tpu.memory_space<hbm>>) target_semaphore(%arg22 : memref<!tpu.dma_semaphore, #tpu.memory_space<semaphore_mem>>)
    %dma_wait3A_182 = arith.constant 2 : i32
    %dma_wait3A_183 = arith.constant 0 : i32
    %dma_wait3A_184 = tpu.memref_slice %arg4[%dma_wait3A_182, %multiple_of3A_137, %dma_wait3A_183] : memref<4x2048x1024xf32, #tpu.memory_space<hbm>> -> memref<1x16x1024xf32, #tpu.memory_space<hbm>>
    %dma_wait3A_185 = tpu.memref_squeeze %dma_wait3A_184 : memref<1x16x1024xf32, #tpu.memory_space<hbm>> -> memref<16x1024xf32, #tpu.memory_space<hbm>>
    %dma_wait3A_186 = arith.constant 0 : i32
    %dma_wait3A_187 = tpu.memref_slice %arg4[%dma_wait3A_182, %multiple_of3A_137, %dma_wait3A_186] : memref<4x2048x1024xf32, #tpu.memory_space<hbm>> -> memref<1x16x1024xf32, #tpu.memory_space<hbm>>
    %dma_wait3A_188 = tpu.memref_squeeze %dma_wait3A_187 : memref<1x16x1024xf32, #tpu.memory_space<hbm>> -> memref<16x1024xf32, #tpu.memory_space<hbm>>
    tpu.wait_dma2 semaphore(%arg21 : memref<!tpu.dma_semaphore, #tpu.memory_space<semaphore_mem>>) src(%arg9 : memref<16x1024xf32, #tpu.memory_space<vmem>>) dst(%dma_wait3A_188 : memref<16x1024xf32, #tpu.memory_space<hbm>>)
    %add3A_189 = arith.constant 16 : i32
    %add3A_190 = arith.addi %multiple_of3A, %add3A_189 : i32
    %multiple_of3A_191 = tpu.assume_multiple %add3A_190, 16 : i32
    %dma_start3A_192 = arith.constant 3 : i32
    %dma_start3A_193 = arith.constant 0 : i32
    %dma_start3A_194 = tpu.memref_slice %arg2[%dma_start3A_192, %multiple_of3A_191, %dma_start3A_193] : memref<4x2048x1024xf32, #tpu.memory_space<hbm>> -> memref<1x16x1024xf32, #tpu.memory_space<hbm>>
    %dma_start3A_195 = tpu.memref_squeeze %dma_start3A_194 : memref<1x16x1024xf32, #tpu.memory_space<hbm>> -> memref<16x1024xf32, #tpu.memory_space<hbm>>
    %dma_start3A_196 = arith.constant 0 : i32
    %dma_start3A_197 = tpu.memref_slice %arg2[%dma_start3A_192, %multiple_of3A_191, %dma_start3A_196] : memref<4x2048x1024xf32, #tpu.memory_space<hbm>> -> memref<1x16x1024xf32, #tpu.memory_space<hbm>>
    %dma_start3A_198 = tpu.memref_squeeze %dma_start3A_197 : memref<1x16x1024xf32, #tpu.memory_space<hbm>> -> memref<16x1024xf32, #tpu.memory_space<hbm>>
    tpu.enqueue_dma source(%dma_start3A_198 : memref<16x1024xf32, #tpu.memory_space<hbm>>) target(%arg9 : memref<16x1024xf32, #tpu.memory_space<vmem>>) target_semaphore(%arg16 : memref<!tpu.dma_semaphore, #tpu.memory_space<semaphore_mem>>)
    %dma_wait3A_199 = arith.constant 0 : i32
    %dma_wait3A_200 = tpu.memref_slice %arg3[%multiple_of3A_54, %dma_wait3A_199] : memref<4096x1024xf32, #tpu.memory_space<hbm>> -> memref<16x1024xf32, #tpu.memory_space<hbm>>
    %dma_wait3A_201 = arith.constant 0 : i32
    %dma_wait3A_202 = tpu.memref_slice %arg3[%multiple_of3A_54, %dma_wait3A_201] : memref<4096x1024xf32, #tpu.memory_space<hbm>> -> memref<16x1024xf32, #tpu.memory_space<hbm>>
    tpu.wait_dma2 semaphore(%arg13 : memref<!tpu.dma_semaphore, #tpu.memory_space<semaphore_mem>>) src(%dma_wait3A_202 : memref<16x1024xf32, #tpu.memory_space<hbm>>) dst(%arg6 : memref<16x1024xf32, #tpu.memory_space<vmem>>)
    %add3A_203 = arith.constant 32 : i32
    %add3A_204 = arith.addi %multiple_of3A, %add3A_203 : i32
    %multiple_of3A_205 = tpu.assume_multiple %add3A_204, 16 : i32
    %dma_start3A_206 = arith.constant 0 : i32
    %dma_start3A_207 = tpu.memref_slice %arg3[%multiple_of3A_205, %dma_start3A_206] : memref<4096x1024xf32, #tpu.memory_space<hbm>> -> memref<16x1024xf32, #tpu.memory_space<hbm>>
    %dma_start3A_208 = arith.constant 0 : i32
    %dma_start3A_209 = tpu.memref_slice %arg3[%multiple_of3A_205, %dma_start3A_208] : memref<4096x1024xf32, #tpu.memory_space<hbm>> -> memref<16x1024xf32, #tpu.memory_space<hbm>>
    tpu.enqueue_dma source(%dma_start3A_209 : memref<16x1024xf32, #tpu.memory_space<hbm>>) target(%arg5 : memref<16x1024xf32, #tpu.memory_space<vmem>>) target_semaphore(%arg12 : memref<!tpu.dma_semaphore, #tpu.memory_space<semaphore_mem>>)
    %dma_wait3A_210 = arith.constant 0 : i32
    %dma_wait3A_211 = arith.constant 0 : i32
    %dma_wait3A_212 = tpu.memref_slice %arg2[%dma_wait3A_210, %multiple_of3A_80, %dma_wait3A_211] : memref<4x2048x1024xf32, #tpu.memory_space<hbm>> -> memref<1x16x1024xf32, #tpu.memory_space<hbm>>
    %dma_wait3A_213 = tpu.memref_squeeze %dma_wait3A_212 : memref<1x16x1024xf32, #tpu.memory_space<hbm>> -> memref<16x1024xf32, #tpu.memory_space<hbm>>
    %dma_wait3A_214 = arith.constant 0 : i32
    %dma_wait3A_215 = tpu.memref_slice %arg2[%dma_wait3A_210, %multiple_of3A_80, %dma_wait3A_214] : memref<4x2048x1024xf32, #tpu.memory_space<hbm>> -> memref<1x16x1024xf32, #tpu.memory_space<hbm>>
    %dma_wait3A_216 = tpu.memref_squeeze %dma_wait3A_215 : memref<1x16x1024xf32, #tpu.memory_space<hbm>> -> memref<16x1024xf32, #tpu.memory_space<hbm>>
    tpu.wait_dma2 semaphore(%arg18 : memref<!tpu.dma_semaphore, #tpu.memory_space<semaphore_mem>>) src(%dma_wait3A_216 : memref<16x1024xf32, #tpu.memory_space<hbm>>) dst(%arg11 : memref<16x1024xf32, #tpu.memory_space<vmem>>)
    %parallel_loop3A_217 = arith.constant 0 : i32
    %parallel_loop3A_218 = arith.constant 16384 : i32
    %parallel_loop3A_219 = arith.constant 16 : i32
    scf.for %parallel_loop3A_636 = %parallel_loop3A_217 to %parallel_loop3A_218 step %parallel_loop3A_219  : i32 {
      %parallel_loop3A_637 = arith.constant 10 : i32
      %parallel_loop3A_638 = arith.shrsi %parallel_loop3A_636, %parallel_loop3A_637 : i32
      %parallel_loop3A_639 = arith.constant 1023 : i32
      %parallel_loop3A_640 = arith.andi %parallel_loop3A_636, %parallel_loop3A_639 : i32
      %parallel_loop3A_641 = tpu.assume_multiple %parallel_loop3A_640, 16 : i32
      %parallel_loop3A_642 = arith.index_cast %parallel_loop3A_638 : i32 to index
      %parallel_loop3A_643 = arith.index_cast %parallel_loop3A_641 : i32 to index
      %parallel_loop3A_644 = tpu.vector_load %arg6[%parallel_loop3A_642, %parallel_loop3A_643] {strides = array<i32>} : memref<16x1024xf32, #tpu.memory_space<vmem>>, vector<1x16xf32>,
      %parallel_loop3A_645 = vector.shape_cast %parallel_loop3A_644 : vector<1x16xf32> to vector<16xf32>
      %parallel_loop3A_646 = arith.index_cast %parallel_loop3A_638 : i32 to index
      %parallel_loop3A_647 = arith.index_cast %parallel_loop3A_641 : i32 to index
      %parallel_loop3A_648 = tpu.vector_load %arg11[%parallel_loop3A_646, %parallel_loop3A_647] {strides = array<i32>} : memref<16x1024xf32, #tpu.memory_space<vmem>>, vector<1x16xf32>,
      %parallel_loop3A_649 = vector.shape_cast %parallel_loop3A_648 : vector<1x16xf32> to vector<16xf32>
      %parallel_loop3A_650 = vector.shape_cast %parallel_loop3A_645 : vector<16xf32> to vector<1x16xf32>
      tpu.vector_store %arg11[%parallel_loop3A_646, %parallel_loop3A_647], %parallel_loop3A_650 {add = true, strides = array<i32>} : memref<16x1024xf32, #tpu.memory_space<vmem>>, vector<1x16xf32>,
    } {sc.loop_unroll_factor = 8 : i64, sc.parallel_access}
    %add3A_220 = arith.constant 16 : i32
    %add3A_221 = arith.addi %multiple_of3A, %add3A_220 : i32
    %multiple_of3A_222 = tpu.assume_multiple %add3A_221, 16 : i32
    %dma_start3A_223 = arith.constant 0 : i32
    %dma_start3A_224 = arith.constant 0 : i32
    %dma_start3A_225 = tpu.memref_slice %arg4[%dma_start3A_223, %multiple_of3A_222, %dma_start3A_224] : memref<4x2048x1024xf32, #tpu.memory_space<hbm>> -> memref<1x16x1024xf32, #tpu.memory_space<hbm>>
    %dma_start3A_226 = tpu.memref_squeeze %dma_start3A_225 : memref<1x16x1024xf32, #tpu.memory_space<hbm>> -> memref<16x1024xf32, #tpu.memory_space<hbm>>
    %dma_start3A_227 = arith.constant 0 : i32
    %dma_start3A_228 = tpu.memref_slice %arg4[%dma_start3A_223, %multiple_of3A_222, %dma_start3A_227] : memref<4x2048x1024xf32, #tpu.memory_space<hbm>> -> memref<1x16x1024xf32, #tpu.memory_space<hbm>>
    %dma_start3A_229 = tpu.memref_squeeze %dma_start3A_228 : memref<1x16x1024xf32, #tpu.memory_space<hbm>> -> memref<16x1024xf32, #tpu.memory_space<hbm>>
    tpu.enqueue_dma source(%arg11 : memref<16x1024xf32, #tpu.memory_space<vmem>>) target(%dma_start3A_229 : memref<16x1024xf32, #tpu.memory_space<hbm>>) target_semaphore(%arg23 : memref<!tpu.dma_semaphore, #tpu.memory_space<semaphore_mem>>)
    %dma_wait3A_230 = arith.constant 3 : i32
    %dma_wait3A_231 = arith.constant 0 : i32
    %dma_wait3A_232 = tpu.memref_slice %arg4[%dma_wait3A_230, %multiple_of3A_174, %dma_wait3A_231] : memref<4x2048x1024xf32, #tpu.memory_space<hbm>> -> memref<1x16x1024xf32, #tpu.memory_space<hbm>>
    %dma_wait3A_233 = tpu.memref_squeeze %dma_wait3A_232 : memref<1x16x1024xf32, #tpu.memory_space<hbm>> -> memref<16x1024xf32, #tpu.memory_space<hbm>>
    %dma_wait3A_234 = arith.constant 0 : i32
    %dma_wait3A_235 = tpu.memref_slice %arg4[%dma_wait3A_230, %multiple_of3A_174, %dma_wait3A_234] : memref<4x2048x1024xf32, #tpu.memory_space<hbm>> -> memref<1x16x1024xf32, #tpu.memory_space<hbm>>
    %dma_wait3A_236 = tpu.memref_squeeze %dma_wait3A_235 : memref<1x16x1024xf32, #tpu.memory_space<hbm>> -> memref<16x1024xf32, #tpu.memory_space<hbm>>
    tpu.wait_dma2 semaphore(%arg22 : memref<!tpu.dma_semaphore, #tpu.memory_space<semaphore_mem>>) src(%arg10 : memref<16x1024xf32, #tpu.memory_space<vmem>>) dst(%dma_wait3A_236 : memref<16x1024xf32, #tpu.memory_space<hbm>>)
    %add3A_237 = arith.constant 32 : i32
    %add3A_238 = arith.addi %multiple_of3A, %add3A_237 : i32
    %multiple_of3A_239 = tpu.assume_multiple %add3A_238, 16 : i32
    %dma_start3A_240 = arith.constant 0 : i32
    %dma_start3A_241 = arith.constant 0 : i32
    %dma_start3A_242 = tpu.memref_slice %arg2[%dma_start3A_240, %multiple_of3A_239, %dma_start3A_241] : memref<4x2048x1024xf32, #tpu.memory_space<hbm>> -> memref<1x16x1024xf32, #tpu.memory_space<hbm>>
    %dma_start3A_243 = tpu.memref_squeeze %dma_start3A_242 : memref<1x16x1024xf32, #tpu.memory_space<hbm>> -> memref<16x1024xf32, #tpu.memory_space<hbm>>
    %dma_start3A_244 = arith.constant 0 : i32
    %dma_start3A_245 = tpu.memref_slice %arg2[%dma_start3A_240, %multiple_of3A_239, %dma_start3A_244] : memref<4x2048x1024xf32, #tpu.memory_space<hbm>> -> memref<1x16x1024xf32, #tpu.memory_space<hbm>>
    %dma_start3A_246 = tpu.memref_squeeze %dma_start3A_245 : memref<1x16x1024xf32, #tpu.memory_space<hbm>> -> memref<16x1024xf32, #tpu.memory_space<hbm>>
    tpu.enqueue_dma source(%dma_start3A_246 : memref<16x1024xf32, #tpu.memory_space<hbm>>) target(%arg10 : memref<16x1024xf32, #tpu.memory_space<vmem>>) target_semaphore(%arg17 : memref<!tpu.dma_semaphore, #tpu.memory_space<semaphore_mem>>)
    %dma_wait3A_247 = arith.constant 1 : i32
    %dma_wait3A_248 = arith.constant 0 : i32
    %dma_wait3A_249 = tpu.memref_slice %arg2[%dma_wait3A_247, %multiple_of3A_117, %dma_wait3A_248] : memref<4x2048x1024xf32, #tpu.memory_space<hbm>> -> memref<1x16x1024xf32, #tpu.memory_space<hbm>>
    %dma_wait3A_250 = tpu.memref_squeeze %dma_wait3A_249 : memref<1x16x1024xf32, #tpu.memory_space<hbm>> -> memref<16x1024xf32, #tpu.memory_space<hbm>>
    %dma_wait3A_251 = arith.constant 0 : i32
    %dma_wait3A_252 = tpu.memref_slice %arg2[%dma_wait3A_247, %multiple_of3A_117, %dma_wait3A_251] : memref<4x2048x1024xf32, #tpu.memory_space<hbm>> -> memref<1x16x1024xf32, #tpu.memory_space<hbm>>
    %dma_wait3A_253 = tpu.memref_squeeze %dma_wait3A_252 : memref<1x16x1024xf32, #tpu.memory_space<hbm>> -> memref<16x1024xf32, #tpu.memory_space<hbm>>
    tpu.wait_dma2 semaphore(%arg14 : memref<!tpu.dma_semaphore, #tpu.memory_space<semaphore_mem>>) src(%dma_wait3A_253 : memref<16x1024xf32, #tpu.memory_space<hbm>>) dst(%arg7 : memref<16x1024xf32, #tpu.memory_space<vmem>>)
    %parallel_loop3A_254 = arith.constant 0 : i32
    %parallel_loop3A_255 = arith.constant 16384 : i32
    %parallel_loop3A_256 = arith.constant 16 : i32
    scf.for %parallel_loop3A_636 = %parallel_loop3A_254 to %parallel_loop3A_255 step %parallel_loop3A_256  : i32 {
      %parallel_loop3A_637 = arith.constant 10 : i32
      %parallel_loop3A_638 = arith.shrsi %parallel_loop3A_636, %parallel_loop3A_637 : i32
      %parallel_loop3A_639 = arith.constant 1023 : i32
      %parallel_loop3A_640 = arith.andi %parallel_loop3A_636, %parallel_loop3A_639 : i32
      %parallel_loop3A_641 = tpu.assume_multiple %parallel_loop3A_640, 16 : i32
      %parallel_loop3A_642 = arith.index_cast %parallel_loop3A_638 : i32 to index
      %parallel_loop3A_643 = arith.index_cast %parallel_loop3A_641 : i32 to index
      %parallel_loop3A_644 = tpu.vector_load %arg6[%parallel_loop3A_642, %parallel_loop3A_643] {strides = array<i32>} : memref<16x1024xf32, #tpu.memory_space<vmem>>, vector<1x16xf32>,
      %parallel_loop3A_645 = vector.shape_cast %parallel_loop3A_644 : vector<1x16xf32> to vector<16xf32>
      %parallel_loop3A_646 = arith.index_cast %parallel_loop3A_638 : i32 to index
      %parallel_loop3A_647 = arith.index_cast %parallel_loop3A_641 : i32 to index
      %parallel_loop3A_648 = tpu.vector_load %arg7[%parallel_loop3A_646, %parallel_loop3A_647] {strides = array<i32>} : memref<16x1024xf32, #tpu.memory_space<vmem>>, vector<1x16xf32>,
      %parallel_loop3A_649 = vector.shape_cast %parallel_loop3A_648 : vector<1x16xf32> to vector<16xf32>
      %parallel_loop3A_650 = vector.shape_cast %parallel_loop3A_645 : vector<16xf32> to vector<1x16xf32>
      tpu.vector_store %arg7[%parallel_loop3A_646, %parallel_loop3A_647], %parallel_loop3A_650 {add = true, strides = array<i32>} : memref<16x1024xf32, #tpu.memory_space<vmem>>, vector<1x16xf32>,
    } {sc.loop_unroll_factor = 8 : i64, sc.parallel_access}
    %add3A_257 = arith.constant 16 : i32
    %add3A_258 = arith.addi %multiple_of3A, %add3A_257 : i32
    %multiple_of3A_259 = tpu.assume_multiple %add3A_258, 16 : i32
    %dma_start3A_260 = arith.constant 1 : i32
    %dma_start3A_261 = arith.constant 0 : i32
    %dma_start3A_262 = tpu.memref_slice %arg4[%dma_start3A_260, %multiple_of3A_259, %dma_start3A_261] : memref<4x2048x1024xf32, #tpu.memory_space<hbm>> -> memref<1x16x1024xf32, #tpu.memory_space<hbm>>
    %dma_start3A_263 = tpu.memref_squeeze %dma_start3A_262 : memref<1x16x1024xf32, #tpu.memory_space<hbm>> -> memref<16x1024xf32, #tpu.memory_space<hbm>>
    %dma_start3A_264 = arith.constant 0 : i32
    %dma_start3A_265 = tpu.memref_slice %arg4[%dma_start3A_260, %multiple_of3A_259, %dma_start3A_264] : memref<4x2048x1024xf32, #tpu.memory_space<hbm>> -> memref<1x16x1024xf32, #tpu.memory_space<hbm>>
    %dma_start3A_266 = tpu.memref_squeeze %dma_start3A_265 : memref<1x16x1024xf32, #tpu.memory_space<hbm>> -> memref<16x1024xf32, #tpu.memory_space<hbm>>
    tpu.enqueue_dma source(%arg7 : memref<16x1024xf32, #tpu.memory_space<vmem>>) target(%dma_start3A_266 : memref<16x1024xf32, #tpu.memory_space<hbm>>) target_semaphore(%arg19 : memref<!tpu.dma_semaphore, #tpu.memory_space<semaphore_mem>>)
    %dma_wait3A_267 = arith.constant 0 : i32
    %dma_wait3A_268 = arith.constant 0 : i32
    %dma_wait3A_269 = tpu.memref_slice %arg4[%dma_wait3A_267, %multiple_of3A_222, %dma_wait3A_268] : memref<4x2048x1024xf32, #tpu.memory_space<hbm>> -> memref<1x16x1024xf32, #tpu.memory_space<hbm>>
    %dma_wait3A_270 = tpu.memref_squeeze %dma_wait3A_269 : memref<1x16x1024xf32, #tpu.memory_space<hbm>> -> memref<16x1024xf32, #tpu.memory_space<hbm>>
    %dma_wait3A_271 = arith.constant 0 : i32
    %dma_wait3A_272 = tpu.memref_slice %arg4[%dma_wait3A_267, %multiple_of3A_222, %dma_wait3A_271] : memref<4x2048x1024xf32, #tpu.memory_space<hbm>> -> memref<1x16x1024xf32, #tpu.memory_space<hbm>>
    %dma_wait3A_273 = tpu.memref_squeeze %dma_wait3A_272 : memref<1x16x1024xf32, #tpu.memory_space<hbm>> -> memref<16x1024xf32, #tpu.memory_space<hbm>>
    tpu.wait_dma2 semaphore(%arg23 : memref<!tpu.dma_semaphore, #tpu.memory_space<semaphore_mem>>) src(%arg11 : memref<16x1024xf32, #tpu.memory_space<vmem>>) dst(%dma_wait3A_273 : memref<16x1024xf32, #tpu.memory_space<hbm>>)
    %add3A_274 = arith.constant 32 : i32
    %add3A_275 = arith.addi %multiple_of3A, %add3A_274 : i32
    %multiple_of3A_276 = tpu.assume_multiple %add3A_275, 16 : i32
    %dma_start3A_277 = arith.constant 1 : i32
    %dma_start3A_278 = arith.constant 0 : i32
    %dma_start3A_279 = tpu.memref_slice %arg2[%dma_start3A_277, %multiple_of3A_276, %dma_start3A_278] : memref<4x2048x1024xf32, #tpu.memory_space<hbm>> -> memref<1x16x1024xf32, #tpu.memory_space<hbm>>
    %dma_start3A_280 = tpu.memref_squeeze %dma_start3A_279 : memref<1x16x1024xf32, #tpu.memory_space<hbm>> -> memref<16x1024xf32, #tpu.memory_space<hbm>>
    %dma_start3A_281 = arith.constant 0 : i32
    %dma_start3A_282 = tpu.memref_slice %arg2[%dma_start3A_277, %multiple_of3A_276, %dma_start3A_281] : memref<4x2048x1024xf32, #tpu.memory_space<hbm>> -> memref<1x16x1024xf32, #tpu.memory_space<hbm>>
    %dma_start3A_283 = tpu.memref_squeeze %dma_start3A_282 : memref<1x16x1024xf32, #tpu.memory_space<hbm>> -> memref<16x1024xf32, #tpu.memory_space<hbm>>
    tpu.enqueue_dma source(%dma_start3A_283 : memref<16x1024xf32, #tpu.memory_space<hbm>>) target(%arg11 : memref<16x1024xf32, #tpu.memory_space<vmem>>) target_semaphore(%arg18 : memref<!tpu.dma_semaphore, #tpu.memory_space<semaphore_mem>>)
    %dma_wait3A_284 = arith.constant 2 : i32
    %dma_wait3A_285 = arith.constant 0 : i32
    %dma_wait3A_286 = tpu.memref_slice %arg2[%dma_wait3A_284, %multiple_of3A_154, %dma_wait3A_285] : memref<4x2048x1024xf32, #tpu.memory_space<hbm>> -> memref<1x16x1024xf32, #tpu.memory_space<hbm>>
    %dma_wait3A_287 = tpu.memref_squeeze %dma_wait3A_286 : memref<1x16x1024xf32, #tpu.memory_space<hbm>> -> memref<16x1024xf32, #tpu.memory_space<hbm>>
    %dma_wait3A_288 = arith.constant 0 : i32
    %dma_wait3A_289 = tpu.memref_slice %arg2[%dma_wait3A_284, %multiple_of3A_154, %dma_wait3A_288] : memref<4x2048x1024xf32, #tpu.memory_space<hbm>> -> memref<1x16x1024xf32, #tpu.memory_space<hbm>>
    %dma_wait3A_290 = tpu.memref_squeeze %dma_wait3A_289 : memref<1x16x1024xf32, #tpu.memory_space<hbm>> -> memref<16x1024xf32, #tpu.memory_space<hbm>>
    tpu.wait_dma2 semaphore(%arg15 : memref<!tpu.dma_semaphore, #tpu.memory_space<semaphore_mem>>) src(%dma_wait3A_290 : memref<16x1024xf32, #tpu.memory_space<hbm>>) dst(%arg8 : memref<16x1024xf32, #tpu.memory_space<vmem>>)
    %parallel_loop3A_291 = arith.constant 0 : i32
    %parallel_loop3A_292 = arith.constant 16384 : i32
    %parallel_loop3A_293 = arith.constant 16 : i32
    scf.for %parallel_loop3A_636 = %parallel_loop3A_291 to %parallel_loop3A_292 step %parallel_loop3A_293  : i32 {
      %parallel_loop3A_637 = arith.constant 10 : i32
      %parallel_loop3A_638 = arith.shrsi %parallel_loop3A_636, %parallel_loop3A_637 : i32
      %parallel_loop3A_639 = arith.constant 1023 : i32
      %parallel_loop3A_640 = arith.andi %parallel_loop3A_636, %parallel_loop3A_639 : i32
      %parallel_loop3A_641 = tpu.assume_multiple %parallel_loop3A_640, 16 : i32
      %parallel_loop3A_642 = arith.index_cast %parallel_loop3A_638 : i32 to index
      %parallel_loop3A_643 = arith.index_cast %parallel_loop3A_641 : i32 to index
      %parallel_loop3A_644 = tpu.vector_load %arg6[%parallel_loop3A_642, %parallel_loop3A_643] {strides = array<i32>} : memref<16x1024xf32, #tpu.memory_space<vmem>>, vector<1x16xf32>,
      %parallel_loop3A_645 = vector.shape_cast %parallel_loop3A_644 : vector<1x16xf32> to vector<16xf32>
      %parallel_loop3A_646 = arith.index_cast %parallel_loop3A_638 : i32 to index
      %parallel_loop3A_647 = arith.index_cast %parallel_loop3A_641 : i32 to index
      %parallel_loop3A_648 = tpu.vector_load %arg8[%parallel_loop3A_646, %parallel_loop3A_647] {strides = array<i32>} : memref<16x1024xf32, #tpu.memory_space<vmem>>, vector<1x16xf32>,
      %parallel_loop3A_649 = vector.shape_cast %parallel_loop3A_648 : vector<1x16xf32> to vector<16xf32>
      %parallel_loop3A_650 = vector.shape_cast %parallel_loop3A_645 : vector<16xf32> to vector<1x16xf32>
      tpu.vector_store %arg8[%parallel_loop3A_646, %parallel_loop3A_647], %parallel_loop3A_650 {add = true, strides = array<i32>} : memref<16x1024xf32, #tpu.memory_space<vmem>>, vector<1x16xf32>,
    } {sc.loop_unroll_factor = 8 : i64, sc.parallel_access}
    %add3A_294 = arith.constant 16 : i32
    %add3A_295 = arith.addi %multiple_of3A, %add3A_294 : i32
    %multiple_of3A_296 = tpu.assume_multiple %add3A_295, 16 : i32
    %dma_start3A_297 = arith.constant 2 : i32
    %dma_start3A_298 = arith.constant 0 : i32
    %dma_start3A_299 = tpu.memref_slice %arg4[%dma_start3A_297, %multiple_of3A_296, %dma_start3A_298] : memref<4x2048x1024xf32, #tpu.memory_space<hbm>> -> memref<1x16x1024xf32, #tpu.memory_space<hbm>>
    %dma_start3A_300 = tpu.memref_squeeze %dma_start3A_299 : memref<1x16x1024xf32, #tpu.memory_space<hbm>> -> memref<16x1024xf32, #tpu.memory_space<hbm>>
    %dma_start3A_301 = arith.constant 0 : i32
    %dma_start3A_302 = tpu.memref_slice %arg4[%dma_start3A_297, %multiple_of3A_296, %dma_start3A_301] : memref<4x2048x1024xf32, #tpu.memory_space<hbm>> -> memref<1x16x1024xf32, #tpu.memory_space<hbm>>
    %dma_start3A_303 = tpu.memref_squeeze %dma_start3A_302 : memref<1x16x1024xf32, #tpu.memory_space<hbm>> -> memref<16x1024xf32, #tpu.memory_space<hbm>>
    tpu.enqueue_dma source(%arg8 : memref<16x1024xf32, #tpu.memory_space<vmem>>) target(%dma_start3A_303 : memref<16x1024xf32, #tpu.memory_space<hbm>>) target_semaphore(%arg20 : memref<!tpu.dma_semaphore, #tpu.memory_space<semaphore_mem>>)
    %dma_wait3A_304 = arith.constant 1 : i32
    %dma_wait3A_305 = arith.constant 0 : i32
    %dma_wait3A_306 = tpu.memref_slice %arg4[%dma_wait3A_304, %multiple_of3A_259, %dma_wait3A_305] : memref<4x2048x1024xf32, #tpu.memory_space<hbm>> -> memref<1x16x1024xf32, #tpu.memory_space<hbm>>
    %dma_wait3A_307 = tpu.memref_squeeze %dma_wait3A_306 : memref<1x16x1024xf32, #tpu.memory_space<hbm>> -> memref<16x1024xf32, #tpu.memory_space<hbm>>
    %dma_wait3A_308 = arith.constant 0 : i32
    %dma_wait3A_309 = tpu.memref_slice %arg4[%dma_wait3A_304, %multiple_of3A_259, %dma_wait3A_308] : memref<4x2048x1024xf32, #tpu.memory_space<hbm>> -> memref<1x16x1024xf32, #tpu.memory_space<hbm>>
    %dma_wait3A_310 = tpu.memref_squeeze %dma_wait3A_309 : memref<1x16x1024xf32, #tpu.memory_space<hbm>> -> memref<16x1024xf32, #tpu.memory_space<hbm>>
    tpu.wait_dma2 semaphore(%arg19 : memref<!tpu.dma_semaphore, #tpu.memory_space<semaphore_mem>>) src(%arg7 : memref<16x1024xf32, #tpu.memory_space<vmem>>) dst(%dma_wait3A_310 : memref<16x1024xf32, #tpu.memory_space<hbm>>)
    %add3A_311 = arith.constant 32 : i32
    %add3A_312 = arith.addi %multiple_of3A, %add3A_311 : i32
    %multiple_of3A_313 = tpu.assume_multiple %add3A_312, 16 : i32
    %dma_start3A_314 = arith.constant 2 : i32
    %dma_start3A_315 = arith.constant 0 : i32
    %dma_start3A_316 = tpu.memref_slice %arg2[%dma_start3A_314, %multiple_of3A_313, %dma_start3A_315] : memref<4x2048x1024xf32, #tpu.memory_space<hbm>> -> memref<1x16x1024xf32, #tpu.memory_space<hbm>>
    %dma_start3A_317 = tpu.memref_squeeze %dma_start3A_316 : memref<1x16x1024xf32, #tpu.memory_space<hbm>> -> memref<16x1024xf32, #tpu.memory_space<hbm>>
    %dma_start3A_318 = arith.constant 0 : i32
    %dma_start3A_319 = tpu.memref_slice %arg2[%dma_start3A_314, %multiple_of3A_313, %dma_start3A_318] : memref<4x2048x1024xf32, #tpu.memory_space<hbm>> -> memref<1x16x1024xf32, #tpu.memory_space<hbm>>
    %dma_start3A_320 = tpu.memref_squeeze %dma_start3A_319 : memref<1x16x1024xf32, #tpu.memory_space<hbm>> -> memref<16x1024xf32, #tpu.memory_space<hbm>>
    tpu.enqueue_dma source(%dma_start3A_320 : memref<16x1024xf32, #tpu.memory_space<hbm>>) target(%arg7 : memref<16x1024xf32, #tpu.memory_space<vmem>>) target_semaphore(%arg14 : memref<!tpu.dma_semaphore, #tpu.memory_space<semaphore_mem>>)
    %dma_wait3A_321 = arith.constant 3 : i32
    %dma_wait3A_322 = arith.constant 0 : i32
    %dma_wait3A_323 = tpu.memref_slice %arg2[%dma_wait3A_321, %multiple_of3A_191, %dma_wait3A_322] : memref<4x2048x1024xf32, #tpu.memory_space<hbm>> -> memref<1x16x1024xf32, #tpu.memory_space<hbm>>
    %dma_wait3A_324 = tpu.memref_squeeze %dma_wait3A_323 : memref<1x16x1024xf32, #tpu.memory_space<hbm>> -> memref<16x1024xf32, #tpu.memory_space<hbm>>
    %dma_wait3A_325 = arith.constant 0 : i32
    %dma_wait3A_326 = tpu.memref_slice %arg2[%dma_wait3A_321, %multiple_of3A_191, %dma_wait3A_325] : memref<4x2048x1024xf32, #tpu.memory_space<hbm>> -> memref<1x16x1024xf32, #tpu.memory_space<hbm>>
    %dma_wait3A_327 = tpu.memref_squeeze %dma_wait3A_326 : memref<1x16x1024xf32, #tpu.memory_space<hbm>> -> memref<16x1024xf32, #tpu.memory_space<hbm>>
    tpu.wait_dma2 semaphore(%arg16 : memref<!tpu.dma_semaphore, #tpu.memory_space<semaphore_mem>>) src(%dma_wait3A_327 : memref<16x1024xf32, #tpu.memory_space<hbm>>) dst(%arg9 : memref<16x1024xf32, #tpu.memory_space<vmem>>)
    %parallel_loop3A_328 = arith.constant 0 : i32
    %parallel_loop3A_329 = arith.constant 16384 : i32
    %parallel_loop3A_330 = arith.constant 16 : i32
    scf.for %parallel_loop3A_636 = %parallel_loop3A_328 to %parallel_loop3A_329 step %parallel_loop3A_330  : i32 {
      %parallel_loop3A_637 = arith.constant 10 : i32
      %parallel_loop3A_638 = arith.shrsi %parallel_loop3A_636, %parallel_loop3A_637 : i32
      %parallel_loop3A_639 = arith.constant 1023 : i32
      %parallel_loop3A_640 = arith.andi %parallel_loop3A_636, %parallel_loop3A_639 : i32
      %parallel_loop3A_641 = tpu.assume_multiple %parallel_loop3A_640, 16 : i32
      %parallel_loop3A_642 = arith.index_cast %parallel_loop3A_638 : i32 to index
      %parallel_loop3A_643 = arith.index_cast %parallel_loop3A_641 : i32 to index
      %parallel_loop3A_644 = tpu.vector_load %arg6[%parallel_loop3A_642, %parallel_loop3A_643] {strides = array<i32>} : memref<16x1024xf32, #tpu.memory_space<vmem>>, vector<1x16xf32>,
      %parallel_loop3A_645 = vector.shape_cast %parallel_loop3A_644 : vector<1x16xf32> to vector<16xf32>
      %parallel_loop3A_646 = arith.index_cast %parallel_loop3A_638 : i32 to index
      %parallel_loop3A_647 = arith.index_cast %parallel_loop3A_641 : i32 to index
      %parallel_loop3A_648 = tpu.vector_load %arg9[%parallel_loop3A_646, %parallel_loop3A_647] {strides = array<i32>} : memref<16x1024xf32, #tpu.memory_space<vmem>>, vector<1x16xf32>,
      %parallel_loop3A_649 = vector.shape_cast %parallel_loop3A_648 : vector<1x16xf32> to vector<16xf32>
      %parallel_loop3A_650 = vector.shape_cast %parallel_loop3A_645 : vector<16xf32> to vector<1x16xf32>
      tpu.vector_store %arg9[%parallel_loop3A_646, %parallel_loop3A_647], %parallel_loop3A_650 {add = true, strides = array<i32>} : memref<16x1024xf32, #tpu.memory_space<vmem>>, vector<1x16xf32>,
    } {sc.loop_unroll_factor = 8 : i64, sc.parallel_access}
    %add3A_331 = arith.constant 16 : i32
    %add3A_332 = arith.addi %multiple_of3A, %add3A_331 : i32
    %multiple_of3A_333 = tpu.assume_multiple %add3A_332, 16 : i32
    %dma_start3A_334 = arith.constant 3 : i32
    %dma_start3A_335 = arith.constant 0 : i32
    %dma_start3A_336 = tpu.memref_slice %arg4[%dma_start3A_334, %multiple_of3A_333, %dma_start3A_335] : memref<4x2048x1024xf32, #tpu.memory_space<hbm>> -> memref<1x16x1024xf32, #tpu.memory_space<hbm>>
    %dma_start3A_337 = tpu.memref_squeeze %dma_start3A_336 : memref<1x16x1024xf32, #tpu.memory_space<hbm>> -> memref<16x1024xf32, #tpu.memory_space<hbm>>
    %dma_start3A_338 = arith.constant 0 : i32
    %dma_start3A_339 = tpu.memref_slice %arg4[%dma_start3A_334, %multiple_of3A_333, %dma_start3A_338] : memref<4x2048x1024xf32, #tpu.memory_space<hbm>> -> memref<1x16x1024xf32, #tpu.memory_space<hbm>>
    %dma_start3A_340 = tpu.memref_squeeze %dma_start3A_339 : memref<1x16x1024xf32, #tpu.memory_space<hbm>> -> memref<16x1024xf32, #tpu.memory_space<hbm>>
    tpu.enqueue_dma source(%arg9 : memref<16x1024xf32, #tpu.memory_space<vmem>>) target(%dma_start3A_340 : memref<16x1024xf32, #tpu.memory_space<hbm>>) target_semaphore(%arg21 : memref<!tpu.dma_semaphore, #tpu.memory_space<semaphore_mem>>)
    %dma_wait3A_341 = arith.constant 2 : i32
    %dma_wait3A_342 = arith.constant 0 : i32
    %dma_wait3A_343 = tpu.memref_slice %arg4[%dma_wait3A_341, %multiple_of3A_296, %dma_wait3A_342] : memref<4x2048x1024xf32, #tpu.memory_space<hbm>> -> memref<1x16x1024xf32, #tpu.memory_space<hbm>>
    %dma_wait3A_344 = tpu.memref_squeeze %dma_wait3A_343 : memref<1x16x1024xf32, #tpu.memory_space<hbm>> -> memref<16x1024xf32, #tpu.memory_space<hbm>>
    %dma_wait3A_345 = arith.constant 0 : i32
    %dma_wait3A_346 = tpu.memref_slice %arg4[%dma_wait3A_341, %multiple_of3A_296, %dma_wait3A_345] : memref<4x2048x1024xf32, #tpu.memory_space<hbm>> -> memref<1x16x1024xf32, #tpu.memory_space<hbm>>
    %dma_wait3A_347 = tpu.memref_squeeze %dma_wait3A_346 : memref<1x16x1024xf32, #tpu.memory_space<hbm>> -> memref<16x1024xf32, #tpu.memory_space<hbm>>
    tpu.wait_dma2 semaphore(%arg20 : memref<!tpu.dma_semaphore, #tpu.memory_space<semaphore_mem>>) src(%arg8 : memref<16x1024xf32, #tpu.memory_space<vmem>>) dst(%dma_wait3A_347 : memref<16x1024xf32, #tpu.memory_space<hbm>>)
    %add3A_348 = arith.constant 32 : i32
    %add3A_349 = arith.addi %multiple_of3A, %add3A_348 : i32
    %multiple_of3A_350 = tpu.assume_multiple %add3A_349, 16 : i32
    %dma_start3A_351 = arith.constant 3 : i32
    %dma_start3A_352 = arith.constant 0 : i32
    %dma_start3A_353 = tpu.memref_slice %arg2[%dma_start3A_351, %multiple_of3A_350, %dma_start3A_352] : memref<4x2048x1024xf32, #tpu.memory_space<hbm>> -> memref<1x16x1024xf32, #tpu.memory_space<hbm>>
    %dma_start3A_354 = tpu.memref_squeeze %dma_start3A_353 : memref<1x16x1024xf32, #tpu.memory_space<hbm>> -> memref<16x1024xf32, #tpu.memory_space<hbm>>
    %dma_start3A_355 = arith.constant 0 : i32
    %dma_start3A_356 = tpu.memref_slice %arg2[%dma_start3A_351, %multiple_of3A_350, %dma_start3A_355] : memref<4x2048x1024xf32, #tpu.memory_space<hbm>> -> memref<1x16x1024xf32, #tpu.memory_space<hbm>>
    %dma_start3A_357 = tpu.memref_squeeze %dma_start3A_356 : memref<1x16x1024xf32, #tpu.memory_space<hbm>> -> memref<16x1024xf32, #tpu.memory_space<hbm>>
    tpu.enqueue_dma source(%dma_start3A_357 : memref<16x1024xf32, #tpu.memory_space<hbm>>) target(%arg8 : memref<16x1024xf32, #tpu.memory_space<vmem>>) target_semaphore(%arg15 : memref<!tpu.dma_semaphore, #tpu.memory_space<semaphore_mem>>)
    %dma_wait3A_358 = arith.constant 0 : i32
    %dma_wait3A_359 = tpu.memref_slice %arg3[%multiple_of3A_205, %dma_wait3A_358] : memref<4096x1024xf32, #tpu.memory_space<hbm>> -> memref<16x1024xf32, #tpu.memory_space<hbm>>
    %dma_wait3A_360 = arith.constant 0 : i32
    %dma_wait3A_361 = tpu.memref_slice %arg3[%multiple_of3A_205, %dma_wait3A_360] : memref<4096x1024xf32, #tpu.memory_space<hbm>> -> memref<16x1024xf32, #tpu.memory_space<hbm>>
    tpu.wait_dma2 semaphore(%arg12 : memref<!tpu.dma_semaphore, #tpu.memory_space<semaphore_mem>>) src(%dma_wait3A_361 : memref<16x1024xf32, #tpu.memory_space<hbm>>) dst(%arg5 : memref<16x1024xf32, #tpu.memory_space<vmem>>)
    %add3A_362 = arith.constant 48 : i32
    %add3A_363 = arith.addi %multiple_of3A, %add3A_362 : i32
    %multiple_of3A_364 = tpu.assume_multiple %add3A_363, 16 : i32
    %dma_start3A_365 = arith.constant 0 : i32
    %dma_start3A_366 = tpu.memref_slice %arg3[%multiple_of3A_364, %dma_start3A_365] : memref<4096x1024xf32, #tpu.memory_space<hbm>> -> memref<16x1024xf32, #tpu.memory_space<hbm>>
    %dma_start3A_367 = arith.constant 0 : i32
    %dma_start3A_368 = tpu.memref_slice %arg3[%multiple_of3A_364, %dma_start3A_367] : memref<4096x1024xf32, #tpu.memory_space<hbm>> -> memref<16x1024xf32, #tpu.memory_space<hbm>>
    tpu.enqueue_dma source(%dma_start3A_368 : memref<16x1024xf32, #tpu.memory_space<hbm>>) target(%arg6 : memref<16x1024xf32, #tpu.memory_space<vmem>>) target_semaphore(%arg13 : memref<!tpu.dma_semaphore, #tpu.memory_space<semaphore_mem>>)
    %dma_wait3A_369 = arith.constant 0 : i32
    %dma_wait3A_370 = arith.constant 0 : i32
    %dma_wait3A_371 = tpu.memref_slice %arg2[%dma_wait3A_369, %multiple_of3A_239, %dma_wait3A_370] : memref<4x2048x1024xf32, #tpu.memory_space<hbm>> -> memref<1x16x1024xf32, #tpu.memory_space<hbm>>
    %dma_wait3A_372 = tpu.memref_squeeze %dma_wait3A_371 : memref<1x16x1024xf32, #tpu.memory_space<hbm>> -> memref<16x1024xf32, #tpu.memory_space<hbm>>
    %dma_wait3A_373 = arith.constant 0 : i32
    %dma_wait3A_374 = tpu.memref_slice %arg2[%dma_wait3A_369, %multiple_of3A_239, %dma_wait3A_373] : memref<4x2048x1024xf32, #tpu.memory_space<hbm>> -> memref<1x16x1024xf32, #tpu.memory_space<hbm>>
    %dma_wait3A_375 = tpu.memref_squeeze %dma_wait3A_374 : memref<1x16x1024xf32, #tpu.memory_space<hbm>> -> memref<16x1024xf32, #tpu.memory_space<hbm>>
    tpu.wait_dma2 semaphore(%arg17 : memref<!tpu.dma_semaphore, #tpu.memory_space<semaphore_mem>>) src(%dma_wait3A_375 : memref<16x1024xf32, #tpu.memory_space<hbm>>) dst(%arg10 : memref<16x1024xf32, #tpu.memory_space<vmem>>)
    %parallel_loop3A_376 = arith.constant 0 : i32
    %parallel_loop3A_377 = arith.constant 16384 : i32
    %parallel_loop3A_378 = arith.constant 16 : i32
    scf.for %parallel_loop3A_636 = %parallel_loop3A_376 to %parallel_loop3A_377 step %parallel_loop3A_378  : i32 {
      %parallel_loop3A_637 = arith.constant 10 : i32
      %parallel_loop3A_638 = arith.shrsi %parallel_loop3A_636, %parallel_loop3A_637 : i32
      %parallel_loop3A_639 = arith.constant 1023 : i32
      %parallel_loop3A_640 = arith.andi %parallel_loop3A_636, %parallel_loop3A_639 : i32
      %parallel_loop3A_641 = tpu.assume_multiple %parallel_loop3A_640, 16 : i32
      %parallel_loop3A_642 = arith.index_cast %parallel_loop3A_638 : i32 to index
      %parallel_loop3A_643 = arith.index_cast %parallel_loop3A_641 : i32 to index
      %parallel_loop3A_644 = tpu.vector_load %arg5[%parallel_loop3A_642, %parallel_loop3A_643] {strides = array<i32>} : memref<16x1024xf32, #tpu.memory_space<vmem>>, vector<1x16xf32>,
      %parallel_loop3A_645 = vector.shape_cast %parallel_loop3A_644 : vector<1x16xf32> to vector<16xf32>
      %parallel_loop3A_646 = arith.index_cast %parallel_loop3A_638 : i32 to index
      %parallel_loop3A_647 = arith.index_cast %parallel_loop3A_641 : i32 to index
      %parallel_loop3A_648 = tpu.vector_load %arg10[%parallel_loop3A_646, %parallel_loop3A_647] {strides = array<i32>} : memref<16x1024xf32, #tpu.memory_space<vmem>>, vector<1x16xf32>,
      %parallel_loop3A_649 = vector.shape_cast %parallel_loop3A_648 : vector<1x16xf32> to vector<16xf32>
      %parallel_loop3A_650 = vector.shape_cast %parallel_loop3A_645 : vector<16xf32> to vector<1x16xf32>
      tpu.vector_store %arg10[%parallel_loop3A_646, %parallel_loop3A_647], %parallel_loop3A_650 {add = true, strides = array<i32>} : memref<16x1024xf32, #tpu.memory_space<vmem>>, vector<1x16xf32>,
    } {sc.loop_unroll_factor = 8 : i64, sc.parallel_access}
    %add3A_379 = arith.constant 32 : i32
    %add3A_380 = arith.addi %multiple_of3A, %add3A_379 : i32
    %multiple_of3A_381 = tpu.assume_multiple %add3A_380, 16 : i32
    %dma_start3A_382 = arith.constant 0 : i32
    %dma_start3A_383 = arith.constant 0 : i32
    %dma_start3A_384 = tpu.memref_slice %arg4[%dma_start3A_382, %multiple_of3A_381, %dma_start3A_383] : memref<4x2048x1024xf32, #tpu.memory_space<hbm>> -> memref<1x16x1024xf32, #tpu.memory_space<hbm>>
    %dma_start3A_385 = tpu.memref_squeeze %dma_start3A_384 : memref<1x16x1024xf32, #tpu.memory_space<hbm>> -> memref<16x1024xf32, #tpu.memory_space<hbm>>
    %dma_start3A_386 = arith.constant 0 : i32
    %dma_start3A_387 = tpu.memref_slice %arg4[%dma_start3A_382, %multiple_of3A_381, %dma_start3A_386] : memref<4x2048x1024xf32, #tpu.memory_space<hbm>> -> memref<1x16x1024xf32, #tpu.memory_space<hbm>>
    %dma_start3A_388 = tpu.memref_squeeze %dma_start3A_387 : memref<1x16x1024xf32, #tpu.memory_space<hbm>> -> memref<16x1024xf32, #tpu.memory_space<hbm>>
    tpu.enqueue_dma source(%arg10 : memref<16x1024xf32, #tpu.memory_space<vmem>>) target(%dma_start3A_388 : memref<16x1024xf32, #tpu.memory_space<hbm>>) target_semaphore(%arg22 : memref<!tpu.dma_semaphore, #tpu.memory_space<semaphore_mem>>)
    %dma_wait3A_389 = arith.constant 3 : i32
    %dma_wait3A_390 = arith.constant 0 : i32
    %dma_wait3A_391 = tpu.memref_slice %arg4[%dma_wait3A_389, %multiple_of3A_333, %dma_wait3A_390] : memref<4x2048x1024xf32, #tpu.memory_space<hbm>> -> memref<1x16x1024xf32, #tpu.memory_space<hbm>>
    %dma_wait3A_392 = tpu.memref_squeeze %dma_wait3A_391 : memref<1x16x1024xf32, #tpu.memory_space<hbm>> -> memref<16x1024xf32, #tpu.memory_space<hbm>>
    %dma_wait3A_393 = arith.constant 0 : i32
    %dma_wait3A_394 = tpu.memref_slice %arg4[%dma_wait3A_389, %multiple_of3A_333, %dma_wait3A_393] : memref<4x2048x1024xf32, #tpu.memory_space<hbm>> -> memref<1x16x1024xf32, #tpu.memory_space<hbm>>
    %dma_wait3A_395 = tpu.memref_squeeze %dma_wait3A_394 : memref<1x16x1024xf32, #tpu.memory_space<hbm>> -> memref<16x1024xf32, #tpu.memory_space<hbm>>
    tpu.wait_dma2 semaphore(%arg21 : memref<!tpu.dma_semaphore, #tpu.memory_space<semaphore_mem>>) src(%arg9 : memref<16x1024xf32, #tpu.memory_space<vmem>>) dst(%dma_wait3A_395 : memref<16x1024xf32, #tpu.memory_space<hbm>>)
    %add3A_396 = arith.constant 48 : i32
    %add3A_397 = arith.addi %multiple_of3A, %add3A_396 : i32
    %multiple_of3A_398 = tpu.assume_multiple %add3A_397, 16 : i32
    %dma_start3A_399 = arith.constant 0 : i32
    %dma_start3A_400 = arith.constant 0 : i32
    %dma_start3A_401 = tpu.memref_slice %arg2[%dma_start3A_399, %multiple_of3A_398, %dma_start3A_400] : memref<4x2048x1024xf32, #tpu.memory_space<hbm>> -> memref<1x16x1024xf32, #tpu.memory_space<hbm>>
    %dma_start3A_402 = tpu.memref_squeeze %dma_start3A_401 : memref<1x16x1024xf32, #tpu.memory_space<hbm>> -> memref<16x1024xf32, #tpu.memory_space<hbm>>
    %dma_start3A_403 = arith.constant 0 : i32
    %dma_start3A_404 = tpu.memref_slice %arg2[%dma_start3A_399, %multiple_of3A_398, %dma_start3A_403] : memref<4x2048x1024xf32, #tpu.memory_space<hbm>> -> memref<1x16x1024xf32, #tpu.memory_space<hbm>>
    %dma_start3A_405 = tpu.memref_squeeze %dma_start3A_404 : memref<1x16x1024xf32, #tpu.memory_space<hbm>> -> memref<16x1024xf32, #tpu.memory_space<hbm>>
    tpu.enqueue_dma source(%dma_start3A_405 : memref<16x1024xf32, #tpu.memory_space<hbm>>) target(%arg9 : memref<16x1024xf32, #tpu.memory_space<vmem>>) target_semaphore(%arg16 : memref<!tpu.dma_semaphore, #tpu.memory_space<semaphore_mem>>)
    %dma_wait3A_406 = arith.constant 1 : i32
    %dma_wait3A_407 = arith.constant 0 : i32
    %dma_wait3A_408 = tpu.memref_slice %arg2[%dma_wait3A_406, %multiple_of3A_276, %dma_wait3A_407] : memref<4x2048x1024xf32, #tpu.memory_space<hbm>> -> memref<1x16x1024xf32, #tpu.memory_space<hbm>>
    %dma_wait3A_409 = tpu.memref_squeeze %dma_wait3A_408 : memref<1x16x1024xf32, #tpu.memory_space<hbm>> -> memref<16x1024xf32, #tpu.memory_space<hbm>>
    %dma_wait3A_410 = arith.constant 0 : i32
    %dma_wait3A_411 = tpu.memref_slice %arg2[%dma_wait3A_406, %multiple_of3A_276, %dma_wait3A_410] : memref<4x2048x1024xf32, #tpu.memory_space<hbm>> -> memref<1x16x1024xf32, #tpu.memory_space<hbm>>
    %dma_wait3A_412 = tpu.memref_squeeze %dma_wait3A_411 : memref<1x16x1024xf32, #tpu.memory_space<hbm>> -> memref<16x1024xf32, #tpu.memory_space<hbm>>
    tpu.wait_dma2 semaphore(%arg18 : memref<!tpu.dma_semaphore, #tpu.memory_space<semaphore_mem>>) src(%dma_wait3A_412 : memref<16x1024xf32, #tpu.memory_space<hbm>>) dst(%arg11 : memref<16x1024xf32, #tpu.memory_space<vmem>>)
    %parallel_loop3A_413 = arith.constant 0 : i32
    %parallel_loop3A_414 = arith.constant 16384 : i32
    %parallel_loop3A_415 = arith.constant 16 : i32
    scf.for %parallel_loop3A_636 = %parallel_loop3A_413 to %parallel_loop3A_414 step %parallel_loop3A_415  : i32 {
      %parallel_loop3A_637 = arith.constant 10 : i32
      %parallel_loop3A_638 = arith.shrsi %parallel_loop3A_636, %parallel_loop3A_637 : i32
      %parallel_loop3A_639 = arith.constant 1023 : i32
      %parallel_loop3A_640 = arith.andi %parallel_loop3A_636, %parallel_loop3A_639 : i32
      %parallel_loop3A_641 = tpu.assume_multiple %parallel_loop3A_640, 16 : i32
      %parallel_loop3A_642 = arith.index_cast %parallel_loop3A_638 : i32 to index
      %parallel_loop3A_643 = arith.index_cast %parallel_loop3A_641 : i32 to index
      %parallel_loop3A_644 = tpu.vector_load %arg5[%parallel_loop3A_642, %parallel_loop3A_643] {strides = array<i32>} : memref<16x1024xf32, #tpu.memory_space<vmem>>, vector<1x16xf32>,
      %parallel_loop3A_645 = vector.shape_cast %parallel_loop3A_644 : vector<1x16xf32> to vector<16xf32>
      %parallel_loop3A_646 = arith.index_cast %parallel_loop3A_638 : i32 to index
      %parallel_loop3A_647 = arith.index_cast %parallel_loop3A_641 : i32 to index
      %parallel_loop3A_648 = tpu.vector_load %arg11[%parallel_loop3A_646, %parallel_loop3A_647] {strides = array<i32>} : memref<16x1024xf32, #tpu.memory_space<vmem>>, vector<1x16xf32>,
      %parallel_loop3A_649 = vector.shape_cast %parallel_loop3A_648 : vector<1x16xf32> to vector<16xf32>
      %parallel_loop3A_650 = vector.shape_cast %parallel_loop3A_645 : vector<16xf32> to vector<1x16xf32>
      tpu.vector_store %arg11[%parallel_loop3A_646, %parallel_loop3A_647], %parallel_loop3A_650 {add = true, strides = array<i32>} : memref<16x1024xf32, #tpu.memory_space<vmem>>, vector<1x16xf32>,
    } {sc.loop_unroll_factor = 8 : i64, sc.parallel_access}
    %add3A_416 = arith.constant 32 : i32
    %add3A_417 = arith.addi %multiple_of3A, %add3A_416 : i32
    %multiple_of3A_418 = tpu.assume_multiple %add3A_417, 16 : i32
    %dma_start3A_419 = arith.constant 1 : i32
    %dma_start3A_420 = arith.constant 0 : i32
    %dma_start3A_421 = tpu.memref_slice %arg4[%dma_start3A_419, %multiple_of3A_418, %dma_start3A_420] : memref<4x2048x1024xf32, #tpu.memory_space<hbm>> -> memref<1x16x1024xf32, #tpu.memory_space<hbm>>
    %dma_start3A_422 = tpu.memref_squeeze %dma_start3A_421 : memref<1x16x1024xf32, #tpu.memory_space<hbm>> -> memref<16x1024xf32, #tpu.memory_space<hbm>>
    %dma_start3A_423 = arith.constant 0 : i32
    %dma_start3A_424 = tpu.memref_slice %arg4[%dma_start3A_419, %multiple_of3A_418, %dma_start3A_423] : memref<4x2048x1024xf32, #tpu.memory_space<hbm>> -> memref<1x16x1024xf32, #tpu.memory_space<hbm>>
    %dma_start3A_425 = tpu.memref_squeeze %dma_start3A_424 : memref<1x16x1024xf32, #tpu.memory_space<hbm>> -> memref<16x1024xf32, #tpu.memory_space<hbm>>
    tpu.enqueue_dma source(%arg11 : memref<16x1024xf32, #tpu.memory_space<vmem>>) target(%dma_start3A_425 : memref<16x1024xf32, #tpu.memory_space<hbm>>) target_semaphore(%arg23 : memref<!tpu.dma_semaphore, #tpu.memory_space<semaphore_mem>>)
    %dma_wait3A_426 = arith.constant 0 : i32
    %dma_wait3A_427 = arith.constant 0 : i32
    %dma_wait3A_428 = tpu.memref_slice %arg4[%dma_wait3A_426, %multiple_of3A_381, %dma_wait3A_427] : memref<4x2048x1024xf32, #tpu.memory_space<hbm>> -> memref<1x16x1024xf32, #tpu.memory_space<hbm>>
    %dma_wait3A_429 = tpu.memref_squeeze %dma_wait3A_428 : memref<1x16x1024xf32, #tpu.memory_space<hbm>> -> memref<16x1024xf32, #tpu.memory_space<hbm>>
    %dma_wait3A_430 = arith.constant 0 : i32
    %dma_wait3A_431 = tpu.memref_slice %arg4[%dma_wait3A_426, %multiple_of3A_381, %dma_wait3A_430] : memref<4x2048x1024xf32, #tpu.memory_space<hbm>> -> memref<1x16x1024xf32, #tpu.memory_space<hbm>>
    %dma_wait3A_432 = tpu.memref_squeeze %dma_wait3A_431 : memref<1x16x1024xf32, #tpu.memory_space<hbm>> -> memref<16x1024xf32, #tpu.memory_space<hbm>>
    tpu.wait_dma2 semaphore(%arg22 : memref<!tpu.dma_semaphore, #tpu.memory_space<semaphore_mem>>) src(%arg10 : memref<16x1024xf32, #tpu.memory_space<vmem>>) dst(%dma_wait3A_432 : memref<16x1024xf32, #tpu.memory_space<hbm>>)
    %add3A_433 = arith.constant 48 : i32
    %add3A_434 = arith.addi %multiple_of3A, %add3A_433 : i32
    %multiple_of3A_435 = tpu.assume_multiple %add3A_434, 16 : i32
    %dma_start3A_436 = arith.constant 1 : i32
    %dma_start3A_437 = arith.constant 0 : i32
    %dma_start3A_438 = tpu.memref_slice %arg2[%dma_start3A_436, %multiple_of3A_435, %dma_start3A_437] : memref<4x2048x1024xf32, #tpu.memory_space<hbm>> -> memref<1x16x1024xf32, #tpu.memory_space<hbm>>
    %dma_start3A_439 = tpu.memref_squeeze %dma_start3A_438 : memref<1x16x1024xf32, #tpu.memory_space<hbm>> -> memref<16x1024xf32, #tpu.memory_space<hbm>>
    %dma_start3A_440 = arith.constant 0 : i32
    %dma_start3A_441 = tpu.memref_slice %arg2[%dma_start3A_436, %multiple_of3A_435, %dma_start3A_440] : memref<4x2048x1024xf32, #tpu.memory_space<hbm>> -> memref<1x16x1024xf32, #tpu.memory_space<hbm>>
    %dma_start3A_442 = tpu.memref_squeeze %dma_start3A_441 : memref<1x16x1024xf32, #tpu.memory_space<hbm>> -> memref<16x1024xf32, #tpu.memory_space<hbm>>
    tpu.enqueue_dma source(%dma_start3A_442 : memref<16x1024xf32, #tpu.memory_space<hbm>>) target(%arg10 : memref<16x1024xf32, #tpu.memory_space<vmem>>) target_semaphore(%arg17 : memref<!tpu.dma_semaphore, #tpu.memory_space<semaphore_mem>>)
    %dma_wait3A_443 = arith.constant 2 : i32
    %dma_wait3A_444 = arith.constant 0 : i32
    %dma_wait3A_445 = tpu.memref_slice %arg2[%dma_wait3A_443, %multiple_of3A_313, %dma_wait3A_444] : memref<4x2048x1024xf32, #tpu.memory_space<hbm>> -> memref<1x16x1024xf32, #tpu.memory_space<hbm>>
    %dma_wait3A_446 = tpu.memref_squeeze %dma_wait3A_445 : memref<1x16x1024xf32, #tpu.memory_space<hbm>> -> memref<16x1024xf32, #tpu.memory_space<hbm>>
    %dma_wait3A_447 = arith.constant 0 : i32
    %dma_wait3A_448 = tpu.memref_slice %arg2[%dma_wait3A_443, %multiple_of3A_313, %dma_wait3A_447] : memref<4x2048x1024xf32, #tpu.memory_space<hbm>> -> memref<1x16x1024xf32, #tpu.memory_space<hbm>>
    %dma_wait3A_449 = tpu.memref_squeeze %dma_wait3A_448 : memref<1x16x1024xf32, #tpu.memory_space<hbm>> -> memref<16x1024xf32, #tpu.memory_space<hbm>>
    tpu.wait_dma2 semaphore(%arg14 : memref<!tpu.dma_semaphore, #tpu.memory_space<semaphore_mem>>) src(%dma_wait3A_449 : memref<16x1024xf32, #tpu.memory_space<hbm>>) dst(%arg7 : memref<16x1024xf32, #tpu.memory_space<vmem>>)
    %parallel_loop3A_450 = arith.constant 0 : i32
    %parallel_loop3A_451 = arith.constant 16384 : i32
    %parallel_loop3A_452 = arith.constant 16 : i32
    scf.for %parallel_loop3A_636 = %parallel_loop3A_450 to %parallel_loop3A_451 step %parallel_loop3A_452  : i32 {
      %parallel_loop3A_637 = arith.constant 10 : i32
      %parallel_loop3A_638 = arith.shrsi %parallel_loop3A_636, %parallel_loop3A_637 : i32
      %parallel_loop3A_639 = arith.constant 1023 : i32
      %parallel_loop3A_640 = arith.andi %parallel_loop3A_636, %parallel_loop3A_639 : i32
      %parallel_loop3A_641 = tpu.assume_multiple %parallel_loop3A_640, 16 : i32
      %parallel_loop3A_642 = arith.index_cast %parallel_loop3A_638 : i32 to index
      %parallel_loop3A_643 = arith.index_cast %parallel_loop3A_641 : i32 to index
      %parallel_loop3A_644 = tpu.vector_load %arg5[%parallel_loop3A_642, %parallel_loop3A_643] {strides = array<i32>} : memref<16x1024xf32, #tpu.memory_space<vmem>>, vector<1x16xf32>,
      %parallel_loop3A_645 = vector.shape_cast %parallel_loop3A_644 : vector<1x16xf32> to vector<16xf32>
      %parallel_loop3A_646 = arith.index_cast %parallel_loop3A_638 : i32 to index
      %parallel_loop3A_647 = arith.index_cast %parallel_loop3A_641 : i32 to index
      %parallel_loop3A_648 = tpu.vector_load %arg7[%parallel_loop3A_646, %parallel_loop3A_647] {strides = array<i32>} : memref<16x1024xf32, #tpu.memory_space<vmem>>, vector<1x16xf32>,
      %parallel_loop3A_649 = vector.shape_cast %parallel_loop3A_648 : vector<1x16xf32> to vector<16xf32>
      %parallel_loop3A_650 = vector.shape_cast %parallel_loop3A_645 : vector<16xf32> to vector<1x16xf32>
      tpu.vector_store %arg7[%parallel_loop3A_646, %parallel_loop3A_647], %parallel_loop3A_650 {add = true, strides = array<i32>} : memref<16x1024xf32, #tpu.memory_space<vmem>>, vector<1x16xf32>,
    } {sc.loop_unroll_factor = 8 : i64, sc.parallel_access}
    %add3A_453 = arith.constant 32 : i32
    %add3A_454 = arith.addi %multiple_of3A, %add3A_453 : i32
    %multiple_of3A_455 = tpu.assume_multiple %add3A_454, 16 : i32
    %dma_start3A_456 = arith.constant 2 : i32
    %dma_start3A_457 = arith.constant 0 : i32
    %dma_start3A_458 = tpu.memref_slice %arg4[%dma_start3A_456, %multiple_of3A_455, %dma_start3A_457] : memref<4x2048x1024xf32, #tpu.memory_space<hbm>> -> memref<1x16x1024xf32, #tpu.memory_space<hbm>>
    %dma_start3A_459 = tpu.memref_squeeze %dma_start3A_458 : memref<1x16x1024xf32, #tpu.memory_space<hbm>> -> memref<16x1024xf32, #tpu.memory_space<hbm>>
    %dma_start3A_460 = arith.constant 0 : i32
    %dma_start3A_461 = tpu.memref_slice %arg4[%dma_start3A_456, %multiple_of3A_455, %dma_start3A_460] : memref<4x2048x1024xf32, #tpu.memory_space<hbm>> -> memref<1x16x1024xf32, #tpu.memory_space<hbm>>
    %dma_start3A_462 = tpu.memref_squeeze %dma_start3A_461 : memref<1x16x1024xf32, #tpu.memory_space<hbm>> -> memref<16x1024xf32, #tpu.memory_space<hbm>>
    tpu.enqueue_dma source(%arg7 : memref<16x1024xf32, #tpu.memory_space<vmem>>) target(%dma_start3A_462 : memref<16x1024xf32, #tpu.memory_space<hbm>>) target_semaphore(%arg19 : memref<!tpu.dma_semaphore, #tpu.memory_space<semaphore_mem>>)
    %dma_wait3A_463 = arith.constant 1 : i32
    %dma_wait3A_464 = arith.constant 0 : i32
    %dma_wait3A_465 = tpu.memref_slice %arg4[%dma_wait3A_463, %multiple_of3A_418, %dma_wait3A_464] : memref<4x2048x1024xf32, #tpu.memory_space<hbm>> -> memref<1x16x1024xf32, #tpu.memory_space<hbm>>
    %dma_wait3A_466 = tpu.memref_squeeze %dma_wait3A_465 : memref<1x16x1024xf32, #tpu.memory_space<hbm>> -> memref<16x1024xf32, #tpu.memory_space<hbm>>
    %dma_wait3A_467 = arith.constant 0 : i32
    %dma_wait3A_468 = tpu.memref_slice %arg4[%dma_wait3A_463, %multiple_of3A_418, %dma_wait3A_467] : memref<4x2048x1024xf32, #tpu.memory_space<hbm>> -> memref<1x16x1024xf32, #tpu.memory_space<hbm>>
    %dma_wait3A_469 = tpu.memref_squeeze %dma_wait3A_468 : memref<1x16x1024xf32, #tpu.memory_space<hbm>> -> memref<16x1024xf32, #tpu.memory_space<hbm>>
    tpu.wait_dma2 semaphore(%arg23 : memref<!tpu.dma_semaphore, #tpu.memory_space<semaphore_mem>>) src(%arg11 : memref<16x1024xf32, #tpu.memory_space<vmem>>) dst(%dma_wait3A_469 : memref<16x1024xf32, #tpu.memory_space<hbm>>)
    %add3A_470 = arith.constant 48 : i32
    %add3A_471 = arith.addi %multiple_of3A, %add3A_470 : i32
    %multiple_of3A_472 = tpu.assume_multiple %add3A_471, 16 : i32
    %dma_start3A_473 = arith.constant 2 : i32
    %dma_start3A_474 = arith.constant 0 : i32
    %dma_start3A_475 = tpu.memref_slice %arg2[%dma_start3A_473, %multiple_of3A_472, %dma_start3A_474] : memref<4x2048x1024xf32, #tpu.memory_space<hbm>> -> memref<1x16x1024xf32, #tpu.memory_space<hbm>>
    %dma_start3A_476 = tpu.memref_squeeze %dma_start3A_475 : memref<1x16x1024xf32, #tpu.memory_space<hbm>> -> memref<16x1024xf32, #tpu.memory_space<hbm>>
    %dma_start3A_477 = arith.constant 0 : i32
    %dma_start3A_478 = tpu.memref_slice %arg2[%dma_start3A_473, %multiple_of3A_472, %dma_start3A_477] : memref<4x2048x1024xf32, #tpu.memory_space<hbm>> -> memref<1x16x1024xf32, #tpu.memory_space<hbm>>
    %dma_start3A_479 = tpu.memref_squeeze %dma_start3A_478 : memref<1x16x1024xf32, #tpu.memory_space<hbm>> -> memref<16x1024xf32, #tpu.memory_space<hbm>>
    tpu.enqueue_dma source(%dma_start3A_479 : memref<16x1024xf32, #tpu.memory_space<hbm>>) target(%arg11 : memref<16x1024xf32, #tpu.memory_space<vmem>>) target_semaphore(%arg18 : memref<!tpu.dma_semaphore, #tpu.memory_space<semaphore_mem>>)
    %dma_wait3A_480 = arith.constant 3 : i32
    %dma_wait3A_481 = arith.constant 0 : i32
    %dma_wait3A_482 = tpu.memref_slice %arg2[%dma_wait3A_480, %multiple_of3A_350, %dma_wait3A_481] : memref<4x2048x1024xf32, #tpu.memory_space<hbm>> -> memref<1x16x1024xf32, #tpu.memory_space<hbm>>
    %dma_wait3A_483 = tpu.memref_squeeze %dma_wait3A_482 : memref<1x16x1024xf32, #tpu.memory_space<hbm>> -> memref<16x1024xf32, #tpu.memory_space<hbm>>
    %dma_wait3A_484 = arith.constant 0 : i32
    %dma_wait3A_485 = tpu.memref_slice %arg2[%dma_wait3A_480, %multiple_of3A_350, %dma_wait3A_484] : memref<4x2048x1024xf32, #tpu.memory_space<hbm>> -> memref<1x16x1024xf32, #tpu.memory_space<hbm>>
    %dma_wait3A_486 = tpu.memref_squeeze %dma_wait3A_485 : memref<1x16x1024xf32, #tpu.memory_space<hbm>> -> memref<16x1024xf32, #tpu.memory_space<hbm>>
    tpu.wait_dma2 semaphore(%arg15 : memref<!tpu.dma_semaphore, #tpu.memory_space<semaphore_mem>>) src(%dma_wait3A_486 : memref<16x1024xf32, #tpu.memory_space<hbm>>) dst(%arg8 : memref<16x1024xf32, #tpu.memory_space<vmem>>)
    %parallel_loop3A_487 = arith.constant 0 : i32
    %parallel_loop3A_488 = arith.constant 16384 : i32
    %parallel_loop3A_489 = arith.constant 16 : i32
    scf.for %parallel_loop3A_636 = %parallel_loop3A_487 to %parallel_loop3A_488 step %parallel_loop3A_489  : i32 {
      %parallel_loop3A_637 = arith.constant 10 : i32
      %parallel_loop3A_638 = arith.shrsi %parallel_loop3A_636, %parallel_loop3A_637 : i32
      %parallel_loop3A_639 = arith.constant 1023 : i32
      %parallel_loop3A_640 = arith.andi %parallel_loop3A_636, %parallel_loop3A_639 : i32
      %parallel_loop3A_641 = tpu.assume_multiple %parallel_loop3A_640, 16 : i32
      %parallel_loop3A_642 = arith.index_cast %parallel_loop3A_638 : i32 to index
      %parallel_loop3A_643 = arith.index_cast %parallel_loop3A_641 : i32 to index
      %parallel_loop3A_644 = tpu.vector_load %arg5[%parallel_loop3A_642, %parallel_loop3A_643] {strides = array<i32>} : memref<16x1024xf32, #tpu.memory_space<vmem>>, vector<1x16xf32>,
      %parallel_loop3A_645 = vector.shape_cast %parallel_loop3A_644 : vector<1x16xf32> to vector<16xf32>
      %parallel_loop3A_646 = arith.index_cast %parallel_loop3A_638 : i32 to index
      %parallel_loop3A_647 = arith.index_cast %parallel_loop3A_641 : i32 to index
      %parallel_loop3A_648 = tpu.vector_load %arg8[%parallel_loop3A_646, %parallel_loop3A_647] {strides = array<i32>} : memref<16x1024xf32, #tpu.memory_space<vmem>>, vector<1x16xf32>,
      %parallel_loop3A_649 = vector.shape_cast %parallel_loop3A_648 : vector<1x16xf32> to vector<16xf32>
      %parallel_loop3A_650 = vector.shape_cast %parallel_loop3A_645 : vector<16xf32> to vector<1x16xf32>
      tpu.vector_store %arg8[%parallel_loop3A_646, %parallel_loop3A_647], %parallel_loop3A_650 {add = true, strides = array<i32>} : memref<16x1024xf32, #tpu.memory_space<vmem>>, vector<1x16xf32>,
    } {sc.loop_unroll_factor = 8 : i64, sc.parallel_access}
    %add3A_490 = arith.constant 32 : i32
    %add3A_491 = arith.addi %multiple_of3A, %add3A_490 : i32
    %multiple_of3A_492 = tpu.assume_multiple %add3A_491, 16 : i32
    %dma_start3A_493 = arith.constant 3 : i32
    %dma_start3A_494 = arith.constant 0 : i32
    %dma_start3A_495 = tpu.memref_slice %arg4[%dma_start3A_493, %multiple_of3A_492, %dma_start3A_494] : memref<4x2048x1024xf32, #tpu.memory_space<hbm>> -> memref<1x16x1024xf32, #tpu.memory_space<hbm>>
    %dma_start3A_496 = tpu.memref_squeeze %dma_start3A_495 : memref<1x16x1024xf32, #tpu.memory_space<hbm>> -> memref<16x1024xf32, #tpu.memory_space<hbm>>
    %dma_start3A_497 = arith.constant 0 : i32
    %dma_start3A_498 = tpu.memref_slice %arg4[%dma_start3A_493, %multiple_of3A_492, %dma_start3A_497] : memref<4x2048x1024xf32, #tpu.memory_space<hbm>> -> memref<1x16x1024xf32, #tpu.memory_space<hbm>>
    %dma_start3A_499 = tpu.memref_squeeze %dma_start3A_498 : memref<1x16x1024xf32, #tpu.memory_space<hbm>> -> memref<16x1024xf32, #tpu.memory_space<hbm>>
    tpu.enqueue_dma source(%arg8 : memref<16x1024xf32, #tpu.memory_space<vmem>>) target(%dma_start3A_499 : memref<16x1024xf32, #tpu.memory_space<hbm>>) target_semaphore(%arg20 : memref<!tpu.dma_semaphore, #tpu.memory_space<semaphore_mem>>)
    %dma_wait3A_500 = arith.constant 2 : i32
    %dma_wait3A_501 = arith.constant 0 : i32
    %dma_wait3A_502 = tpu.memref_slice %arg4[%dma_wait3A_500, %multiple_of3A_455, %dma_wait3A_501] : memref<4x2048x1024xf32, #tpu.memory_space<hbm>> -> memref<1x16x1024xf32, #tpu.memory_space<hbm>>
    %dma_wait3A_503 = tpu.memref_squeeze %dma_wait3A_502 : memref<1x16x1024xf32, #tpu.memory_space<hbm>> -> memref<16x1024xf32, #tpu.memory_space<hbm>>
    %dma_wait3A_504 = arith.constant 0 : i32
    %dma_wait3A_505 = tpu.memref_slice %arg4[%dma_wait3A_500, %multiple_of3A_455, %dma_wait3A_504] : memref<4x2048x1024xf32, #tpu.memory_space<hbm>> -> memref<1x16x1024xf32, #tpu.memory_space<hbm>>
    %dma_wait3A_506 = tpu.memref_squeeze %dma_wait3A_505 : memref<1x16x1024xf32, #tpu.memory_space<hbm>> -> memref<16x1024xf32, #tpu.memory_space<hbm>>
    tpu.wait_dma2 semaphore(%arg19 : memref<!tpu.dma_semaphore, #tpu.memory_space<semaphore_mem>>) src(%arg7 : memref<16x1024xf32, #tpu.memory_space<vmem>>) dst(%dma_wait3A_506 : memref<16x1024xf32, #tpu.memory_space<hbm>>)
    %add3A_507 = arith.constant 48 : i32
    %add3A_508 = arith.addi %multiple_of3A, %add3A_507 : i32
    %multiple_of3A_509 = tpu.assume_multiple %add3A_508, 16 : i32
    %dma_start3A_510 = arith.constant 3 : i32
    %dma_start3A_511 = arith.constant 0 : i32
    %dma_start3A_512 = tpu.memref_slice %arg2[%dma_start3A_510, %multiple_of3A_509, %dma_start3A_511] : memref<4x2048x1024xf32, #tpu.memory_space<hbm>> -> memref<1x16x1024xf32, #tpu.memory_space<hbm>>
    %dma_start3A_513 = tpu.memref_squeeze %dma_start3A_512 : memref<1x16x1024xf32, #tpu.memory_space<hbm>> -> memref<16x1024xf32, #tpu.memory_space<hbm>>
    %dma_start3A_514 = arith.constant 0 : i32
    %dma_start3A_515 = tpu.memref_slice %arg2[%dma_start3A_510, %multiple_of3A_509, %dma_start3A_514] : memref<4x2048x1024xf32, #tpu.memory_space<hbm>> -> memref<1x16x1024xf32, #tpu.memory_space<hbm>>
    %dma_start3A_516 = tpu.memref_squeeze %dma_start3A_515 : memref<1x16x1024xf32, #tpu.memory_space<hbm>> -> memref<16x1024xf32, #tpu.memory_space<hbm>>
    tpu.enqueue_dma source(%dma_start3A_516 : memref<16x1024xf32, #tpu.memory_space<hbm>>) target(%arg7 : memref<16x1024xf32, #tpu.memory_space<vmem>>) target_semaphore(%arg14 : memref<!tpu.dma_semaphore, #tpu.memory_space<semaphore_mem>>)
    %dma_wait3A_517 = arith.constant 0 : i32
    %dma_wait3A_518 = tpu.memref_slice %arg3[%multiple_of3A_364, %dma_wait3A_517] : memref<4096x1024xf32, #tpu.memory_space<hbm>> -> memref<16x1024xf32, #tpu.memory_space<hbm>>
    %dma_wait3A_519 = arith.constant 0 : i32
    %dma_wait3A_520 = tpu.memref_slice %arg3[%multiple_of3A_364, %dma_wait3A_519] : memref<4096x1024xf32, #tpu.memory_space<hbm>> -> memref<16x1024xf32, #tpu.memory_space<hbm>>
    tpu.wait_dma2 semaphore(%arg13 : memref<!tpu.dma_semaphore, #tpu.memory_space<semaphore_mem>>) src(%dma_wait3A_520 : memref<16x1024xf32, #tpu.memory_space<hbm>>) dst(%arg6 : memref<16x1024xf32, #tpu.memory_space<vmem>>)
    %dma_wait3A_521 = arith.constant 0 : i32
    %dma_wait3A_522 = arith.constant 0 : i32
    %dma_wait3A_523 = tpu.memref_slice %arg2[%dma_wait3A_521, %multiple_of3A_398, %dma_wait3A_522] : memref<4x2048x1024xf32, #tpu.memory_space<hbm>> -> memref<1x16x1024xf32, #tpu.memory_space<hbm>>
    %dma_wait3A_524 = tpu.memref_squeeze %dma_wait3A_523 : memref<1x16x1024xf32, #tpu.memory_space<hbm>> -> memref<16x1024xf32, #tpu.memory_space<hbm>>
    %dma_wait3A_525 = arith.constant 0 : i32
    %dma_wait3A_526 = tpu.memref_slice %arg2[%dma_wait3A_521, %multiple_of3A_398, %dma_wait3A_525] : memref<4x2048x1024xf32, #tpu.memory_space<hbm>> -> memref<1x16x1024xf32, #tpu.memory_space<hbm>>
    %dma_wait3A_527 = tpu.memref_squeeze %dma_wait3A_526 : memref<1x16x1024xf32, #tpu.memory_space<hbm>> -> memref<16x1024xf32, #tpu.memory_space<hbm>>
    tpu.wait_dma2 semaphore(%arg16 : memref<!tpu.dma_semaphore, #tpu.memory_space<semaphore_mem>>) src(%dma_wait3A_527 : memref<16x1024xf32, #tpu.memory_space<hbm>>) dst(%arg9 : memref<16x1024xf32, #tpu.memory_space<vmem>>)
    %parallel_loop3A_528 = arith.constant 0 : i32
    %parallel_loop3A_529 = arith.constant 16384 : i32
    %parallel_loop3A_530 = arith.constant 16 : i32
    scf.for %parallel_loop3A_636 = %parallel_loop3A_528 to %parallel_loop3A_529 step %parallel_loop3A_530  : i32 {
      %parallel_loop3A_637 = arith.constant 10 : i32
      %parallel_loop3A_638 = arith.shrsi %parallel_loop3A_636, %parallel_loop3A_637 : i32
      %parallel_loop3A_639 = arith.constant 1023 : i32
      %parallel_loop3A_640 = arith.andi %parallel_loop3A_636, %parallel_loop3A_639 : i32
      %parallel_loop3A_641 = tpu.assume_multiple %parallel_loop3A_640, 16 : i32
      %parallel_loop3A_642 = arith.index_cast %parallel_loop3A_638 : i32 to index
      %parallel_loop3A_643 = arith.index_cast %parallel_loop3A_641 : i32 to index
      %parallel_loop3A_644 = tpu.vector_load %arg6[%parallel_loop3A_642, %parallel_loop3A_643] {strides = array<i32>} : memref<16x1024xf32, #tpu.memory_space<vmem>>, vector<1x16xf32>,
      %parallel_loop3A_645 = vector.shape_cast %parallel_loop3A_644 : vector<1x16xf32> to vector<16xf32>
      %parallel_loop3A_646 = arith.index_cast %parallel_loop3A_638 : i32 to index
      %parallel_loop3A_647 = arith.index_cast %parallel_loop3A_641 : i32 to index
      %parallel_loop3A_648 = tpu.vector_load %arg9[%parallel_loop3A_646, %parallel_loop3A_647] {strides = array<i32>} : memref<16x1024xf32, #tpu.memory_space<vmem>>, vector<1x16xf32>,
      %parallel_loop3A_649 = vector.shape_cast %parallel_loop3A_648 : vector<1x16xf32> to vector<16xf32>
      %parallel_loop3A_650 = vector.shape_cast %parallel_loop3A_645 : vector<16xf32> to vector<1x16xf32>
      tpu.vector_store %arg9[%parallel_loop3A_646, %parallel_loop3A_647], %parallel_loop3A_650 {add = true, strides = array<i32>} : memref<16x1024xf32, #tpu.memory_space<vmem>>, vector<1x16xf32>,
    } {sc.loop_unroll_factor = 8 : i64, sc.parallel_access}
    %add3A_531 = arith.constant 48 : i32
    %add3A_532 = arith.addi %multiple_of3A, %add3A_531 : i32
    %multiple_of3A_533 = tpu.assume_multiple %add3A_532, 16 : i32
    %dma_start3A_534 = arith.constant 0 : i32
    %dma_start3A_535 = arith.constant 0 : i32
    %dma_start3A_536 = tpu.memref_slice %arg4[%dma_start3A_534, %multiple_of3A_533, %dma_start3A_535] : memref<4x2048x1024xf32, #tpu.memory_space<hbm>> -> memref<1x16x1024xf32, #tpu.memory_space<hbm>>
    %dma_start3A_537 = tpu.memref_squeeze %dma_start3A_536 : memref<1x16x1024xf32, #tpu.memory_space<hbm>> -> memref<16x1024xf32, #tpu.memory_space<hbm>>
    %dma_start3A_538 = arith.constant 0 : i32
    %dma_start3A_539 = tpu.memref_slice %arg4[%dma_start3A_534, %multiple_of3A_533, %dma_start3A_538] : memref<4x2048x1024xf32, #tpu.memory_space<hbm>> -> memref<1x16x1024xf32, #tpu.memory_space<hbm>>
    %dma_start3A_540 = tpu.memref_squeeze %dma_start3A_539 : memref<1x16x1024xf32, #tpu.memory_space<hbm>> -> memref<16x1024xf32, #tpu.memory_space<hbm>>
    tpu.enqueue_dma source(%arg9 : memref<16x1024xf32, #tpu.memory_space<vmem>>) target(%dma_start3A_540 : memref<16x1024xf32, #tpu.memory_space<hbm>>) target_semaphore(%arg21 : memref<!tpu.dma_semaphore, #tpu.memory_space<semaphore_mem>>)
    %dma_wait3A_541 = arith.constant 1 : i32
    %dma_wait3A_542 = arith.constant 0 : i32
    %dma_wait3A_543 = tpu.memref_slice %arg2[%dma_wait3A_541, %multiple_of3A_435, %dma_wait3A_542] : memref<4x2048x1024xf32, #tpu.memory_space<hbm>> -> memref<1x16x1024xf32, #tpu.memory_space<hbm>>
    %dma_wait3A_544 = tpu.memref_squeeze %dma_wait3A_543 : memref<1x16x1024xf32, #tpu.memory_space<hbm>> -> memref<16x1024xf32, #tpu.memory_space<hbm>>
    %dma_wait3A_545 = arith.constant 0 : i32
    %dma_wait3A_546 = tpu.memref_slice %arg2[%dma_wait3A_541, %multiple_of3A_435, %dma_wait3A_545] : memref<4x2048x1024xf32, #tpu.memory_space<hbm>> -> memref<1x16x1024xf32, #tpu.memory_space<hbm>>
    %dma_wait3A_547 = tpu.memref_squeeze %dma_wait3A_546 : memref<1x16x1024xf32, #tpu.memory_space<hbm>> -> memref<16x1024xf32, #tpu.memory_space<hbm>>
    tpu.wait_dma2 semaphore(%arg17 : memref<!tpu.dma_semaphore, #tpu.memory_space<semaphore_mem>>) src(%dma_wait3A_547 : memref<16x1024xf32, #tpu.memory_space<hbm>>) dst(%arg10 : memref<16x1024xf32, #tpu.memory_space<vmem>>)
    %parallel_loop3A_548 = arith.constant 0 : i32
    %parallel_loop3A_549 = arith.constant 16384 : i32
    %parallel_loop3A_550 = arith.constant 16 : i32
    scf.for %parallel_loop3A_636 = %parallel_loop3A_548 to %parallel_loop3A_549 step %parallel_loop3A_550  : i32 {
      %parallel_loop3A_637 = arith.constant 10 : i32
      %parallel_loop3A_638 = arith.shrsi %parallel_loop3A_636, %parallel_loop3A_637 : i32
      %parallel_loop3A_639 = arith.constant 1023 : i32
      %parallel_loop3A_640 = arith.andi %parallel_loop3A_636, %parallel_loop3A_639 : i32
      %parallel_loop3A_641 = tpu.assume_multiple %parallel_loop3A_640, 16 : i32
      %parallel_loop3A_642 = arith.index_cast %parallel_loop3A_638 : i32 to index
      %parallel_loop3A_643 = arith.index_cast %parallel_loop3A_641 : i32 to index
      %parallel_loop3A_644 = tpu.vector_load %arg6[%parallel_loop3A_642, %parallel_loop3A_643] {strides = array<i32>} : memref<16x1024xf32, #tpu.memory_space<vmem>>, vector<1x16xf32>,
      %parallel_loop3A_645 = vector.shape_cast %parallel_loop3A_644 : vector<1x16xf32> to vector<16xf32>
      %parallel_loop3A_646 = arith.index_cast %parallel_loop3A_638 : i32 to index
      %parallel_loop3A_647 = arith.index_cast %parallel_loop3A_641 : i32 to index
      %parallel_loop3A_648 = tpu.vector_load %arg10[%parallel_loop3A_646, %parallel_loop3A_647] {strides = array<i32>} : memref<16x1024xf32, #tpu.memory_space<vmem>>, vector<1x16xf32>,
      %parallel_loop3A_649 = vector.shape_cast %parallel_loop3A_648 : vector<1x16xf32> to vector<16xf32>
      %parallel_loop3A_650 = vector.shape_cast %parallel_loop3A_645 : vector<16xf32> to vector<1x16xf32>
      tpu.vector_store %arg10[%parallel_loop3A_646, %parallel_loop3A_647], %parallel_loop3A_650 {add = true, strides = array<i32>} : memref<16x1024xf32, #tpu.memory_space<vmem>>, vector<1x16xf32>,
    } {sc.loop_unroll_factor = 8 : i64, sc.parallel_access}
    %add3A_551 = arith.constant 48 : i32
    %add3A_552 = arith.addi %multiple_of3A, %add3A_551 : i32
    %multiple_of3A_553 = tpu.assume_multiple %add3A_552, 16 : i32
    %dma_start3A_554 = arith.constant 1 : i32
    %dma_start3A_555 = arith.constant 0 : i32
    %dma_start3A_556 = tpu.memref_slice %arg4[%dma_start3A_554, %multiple_of3A_553, %dma_start3A_555] : memref<4x2048x1024xf32, #tpu.memory_space<hbm>> -> memref<1x16x1024xf32, #tpu.memory_space<hbm>>
    %dma_start3A_557 = tpu.memref_squeeze %dma_start3A_556 : memref<1x16x1024xf32, #tpu.memory_space<hbm>> -> memref<16x1024xf32, #tpu.memory_space<hbm>>
    %dma_start3A_558 = arith.constant 0 : i32
    %dma_start3A_559 = tpu.memref_slice %arg4[%dma_start3A_554, %multiple_of3A_553, %dma_start3A_558] : memref<4x2048x1024xf32, #tpu.memory_space<hbm>> -> memref<1x16x1024xf32, #tpu.memory_space<hbm>>
    %dma_start3A_560 = tpu.memref_squeeze %dma_start3A_559 : memref<1x16x1024xf32, #tpu.memory_space<hbm>> -> memref<16x1024xf32, #tpu.memory_space<hbm>>
    tpu.enqueue_dma source(%arg10 : memref<16x1024xf32, #tpu.memory_space<vmem>>) target(%dma_start3A_560 : memref<16x1024xf32, #tpu.memory_space<hbm>>) target_semaphore(%arg22 : memref<!tpu.dma_semaphore, #tpu.memory_space<semaphore_mem>>)
    %dma_wait3A_561 = arith.constant 2 : i32
    %dma_wait3A_562 = arith.constant 0 : i32
    %dma_wait3A_563 = tpu.memref_slice %arg2[%dma_wait3A_561, %multiple_of3A_472, %dma_wait3A_562] : memref<4x2048x1024xf32, #tpu.memory_space<hbm>> -> memref<1x16x1024xf32, #tpu.memory_space<hbm>>
    %dma_wait3A_564 = tpu.memref_squeeze %dma_wait3A_563 : memref<1x16x1024xf32, #tpu.memory_space<hbm>> -> memref<16x1024xf32, #tpu.memory_space<hbm>>
    %dma_wait3A_565 = arith.constant 0 : i32
    %dma_wait3A_566 = tpu.memref_slice %arg2[%dma_wait3A_561, %multiple_of3A_472, %dma_wait3A_565] : memref<4x2048x1024xf32, #tpu.memory_space<hbm>> -> memref<1x16x1024xf32, #tpu.memory_space<hbm>>
    %dma_wait3A_567 = tpu.memref_squeeze %dma_wait3A_566 : memref<1x16x1024xf32, #tpu.memory_space<hbm>> -> memref<16x1024xf32, #tpu.memory_space<hbm>>
    tpu.wait_dma2 semaphore(%arg18 : memref<!tpu.dma_semaphore, #tpu.memory_space<semaphore_mem>>) src(%dma_wait3A_567 : memref<16x1024xf32, #tpu.memory_space<hbm>>) dst(%arg11 : memref<16x1024xf32, #tpu.memory_space<vmem>>)
    %parallel_loop3A_568 = arith.constant 0 : i32
    %parallel_loop3A_569 = arith.constant 16384 : i32
    %parallel_loop3A_570 = arith.constant 16 : i32
    scf.for %parallel_loop3A_636 = %parallel_loop3A_568 to %parallel_loop3A_569 step %parallel_loop3A_570  : i32 {
      %parallel_loop3A_637 = arith.constant 10 : i32
      %parallel_loop3A_638 = arith.shrsi %parallel_loop3A_636, %parallel_loop3A_637 : i32
      %parallel_loop3A_639 = arith.constant 1023 : i32
      %parallel_loop3A_640 = arith.andi %parallel_loop3A_636, %parallel_loop3A_639 : i32
      %parallel_loop3A_641 = tpu.assume_multiple %parallel_loop3A_640, 16 : i32
      %parallel_loop3A_642 = arith.index_cast %parallel_loop3A_638 : i32 to index
      %parallel_loop3A_643 = arith.index_cast %parallel_loop3A_641 : i32 to index
      %parallel_loop3A_644 = tpu.vector_load %arg6[%parallel_loop3A_642, %parallel_loop3A_643] {strides = array<i32>} : memref<16x1024xf32, #tpu.memory_space<vmem>>, vector<1x16xf32>,
      %parallel_loop3A_645 = vector.shape_cast %parallel_loop3A_644 : vector<1x16xf32> to vector<16xf32>
      %parallel_loop3A_646 = arith.index_cast %parallel_loop3A_638 : i32 to index
      %parallel_loop3A_647 = arith.index_cast %parallel_loop3A_641 : i32 to index
      %parallel_loop3A_648 = tpu.vector_load %arg11[%parallel_loop3A_646, %parallel_loop3A_647] {strides = array<i32>} : memref<16x1024xf32, #tpu.memory_space<vmem>>, vector<1x16xf32>,
      %parallel_loop3A_649 = vector.shape_cast %parallel_loop3A_648 : vector<1x16xf32> to vector<16xf32>
      %parallel_loop3A_650 = vector.shape_cast %parallel_loop3A_645 : vector<16xf32> to vector<1x16xf32>
      tpu.vector_store %arg11[%parallel_loop3A_646, %parallel_loop3A_647], %parallel_loop3A_650 {add = true, strides = array<i32>} : memref<16x1024xf32, #tpu.memory_space<vmem>>, vector<1x16xf32>,
    } {sc.loop_unroll_factor = 8 : i64, sc.parallel_access}
    %add3A_571 = arith.constant 48 : i32
    %add3A_572 = arith.addi %multiple_of3A, %add3A_571 : i32
    %multiple_of3A_573 = tpu.assume_multiple %add3A_572, 16 : i32
    %dma_start3A_574 = arith.constant 2 : i32
    %dma_start3A_575 = arith.constant 0 : i32
    %dma_start3A_576 = tpu.memref_slice %arg4[%dma_start3A_574, %multiple_of3A_573, %dma_start3A_575] : memref<4x2048x1024xf32, #tpu.memory_space<hbm>> -> memref<1x16x1024xf32, #tpu.memory_space<hbm>>
    %dma_start3A_577 = tpu.memref_squeeze %dma_start3A_576 : memref<1x16x1024xf32, #tpu.memory_space<hbm>> -> memref<16x1024xf32, #tpu.memory_space<hbm>>
    %dma_start3A_578 = arith.constant 0 : i32
    %dma_start3A_579 = tpu.memref_slice %arg4[%dma_start3A_574, %multiple_of3A_573, %dma_start3A_578] : memref<4x2048x1024xf32, #tpu.memory_space<hbm>> -> memref<1x16x1024xf32, #tpu.memory_space<hbm>>
    %dma_start3A_580 = tpu.memref_squeeze %dma_start3A_579 : memref<1x16x1024xf32, #tpu.memory_space<hbm>> -> memref<16x1024xf32, #tpu.memory_space<hbm>>
    tpu.enqueue_dma source(%arg11 : memref<16x1024xf32, #tpu.memory_space<vmem>>) target(%dma_start3A_580 : memref<16x1024xf32, #tpu.memory_space<hbm>>) target_semaphore(%arg23 : memref<!tpu.dma_semaphore, #tpu.memory_space<semaphore_mem>>)
    %dma_wait3A_581 = arith.constant 3 : i32
    %dma_wait3A_582 = arith.constant 0 : i32
    %dma_wait3A_583 = tpu.memref_slice %arg2[%dma_wait3A_581, %multiple_of3A_509, %dma_wait3A_582] : memref<4x2048x1024xf32, #tpu.memory_space<hbm>> -> memref<1x16x1024xf32, #tpu.memory_space<hbm>>
    %dma_wait3A_584 = tpu.memref_squeeze %dma_wait3A_583 : memref<1x16x1024xf32, #tpu.memory_space<hbm>> -> memref<16x1024xf32, #tpu.memory_space<hbm>>
    %dma_wait3A_585 = arith.constant 0 : i32
    %dma_wait3A_586 = tpu.memref_slice %arg2[%dma_wait3A_581, %multiple_of3A_509, %dma_wait3A_585] : memref<4x2048x1024xf32, #tpu.memory_space<hbm>> -> memref<1x16x1024xf32, #tpu.memory_space<hbm>>
    %dma_wait3A_587 = tpu.memref_squeeze %dma_wait3A_586 : memref<1x16x1024xf32, #tpu.memory_space<hbm>> -> memref<16x1024xf32, #tpu.memory_space<hbm>>
    tpu.wait_dma2 semaphore(%arg14 : memref<!tpu.dma_semaphore, #tpu.memory_space<semaphore_mem>>) src(%dma_wait3A_587 : memref<16x1024xf32, #tpu.memory_space<hbm>>) dst(%arg7 : memref<16x1024xf32, #tpu.memory_space<vmem>>)
    %parallel_loop3A_588 = arith.constant 0 : i32
    %parallel_loop3A_589 = arith.constant 16384 : i32
    %parallel_loop3A_590 = arith.constant 16 : i32
    scf.for %parallel_loop3A_636 = %parallel_loop3A_588 to %parallel_loop3A_589 step %parallel_loop3A_590  : i32 {
      %parallel_loop3A_637 = arith.constant 10 : i32
      %parallel_loop3A_638 = arith.shrsi %parallel_loop3A_636, %parallel_loop3A_637 : i32
      %parallel_loop3A_639 = arith.constant 1023 : i32
      %parallel_loop3A_640 = arith.andi %parallel_loop3A_636, %parallel_loop3A_639 : i32
      %parallel_loop3A_641 = tpu.assume_multiple %parallel_loop3A_640, 16 : i32
      %parallel_loop3A_642 = arith.index_cast %parallel_loop3A_638 : i32 to index
      %parallel_loop3A_643 = arith.index_cast %parallel_loop3A_641 : i32 to index
      %parallel_loop3A_644 = tpu.vector_load %arg6[%parallel_loop3A_642, %parallel_loop3A_643] {strides = array<i32>} : memref<16x1024xf32, #tpu.memory_space<vmem>>, vector<1x16xf32>,
      %parallel_loop3A_645 = vector.shape_cast %parallel_loop3A_644 : vector<1x16xf32> to vector<16xf32>
      %parallel_loop3A_646 = arith.index_cast %parallel_loop3A_638 : i32 to index
      %parallel_loop3A_647 = arith.index_cast %parallel_loop3A_641 : i32 to index
      %parallel_loop3A_648 = tpu.vector_load %arg7[%parallel_loop3A_646, %parallel_loop3A_647] {strides = array<i32>} : memref<16x1024xf32, #tpu.memory_space<vmem>>, vector<1x16xf32>,
      %parallel_loop3A_649 = vector.shape_cast %parallel_loop3A_648 : vector<1x16xf32> to vector<16xf32>
      %parallel_loop3A_650 = vector.shape_cast %parallel_loop3A_645 : vector<16xf32> to vector<1x16xf32>
      tpu.vector_store %arg7[%parallel_loop3A_646, %parallel_loop3A_647], %parallel_loop3A_650 {add = true, strides = array<i32>} : memref<16x1024xf32, #tpu.memory_space<vmem>>, vector<1x16xf32>,
    } {sc.loop_unroll_factor = 8 : i64, sc.parallel_access}
    %add3A_591 = arith.constant 48 : i32
    %add3A_592 = arith.addi %multiple_of3A, %add3A_591 : i32
    %multiple_of3A_593 = tpu.assume_multiple %add3A_592, 16 : i32
    %dma_start3A_594 = arith.constant 3 : i32
    %dma_start3A_595 = arith.constant 0 : i32
    %dma_start3A_596 = tpu.memref_slice %arg4[%dma_start3A_594, %multiple_of3A_593, %dma_start3A_595] : memref<4x2048x1024xf32, #tpu.memory_space<hbm>> -> memref<1x16x1024xf32, #tpu.memory_space<hbm>>
    %dma_start3A_597 = tpu.memref_squeeze %dma_start3A_596 : memref<1x16x1024xf32, #tpu.memory_space<hbm>> -> memref<16x1024xf32, #tpu.memory_space<hbm>>
    %dma_start3A_598 = arith.constant 0 : i32
    %dma_start3A_599 = tpu.memref_slice %arg4[%dma_start3A_594, %multiple_of3A_593, %dma_start3A_598] : memref<4x2048x1024xf32, #tpu.memory_space<hbm>> -> memref<1x16x1024xf32, #tpu.memory_space<hbm>>
    %dma_start3A_600 = tpu.memref_squeeze %dma_start3A_599 : memref<1x16x1024xf32, #tpu.memory_space<hbm>> -> memref<16x1024xf32, #tpu.memory_space<hbm>>
    tpu.enqueue_dma source(%arg7 : memref<16x1024xf32, #tpu.memory_space<vmem>>) target(%dma_start3A_600 : memref<16x1024xf32, #tpu.memory_space<hbm>>) target_semaphore(%arg19 : memref<!tpu.dma_semaphore, #tpu.memory_space<semaphore_mem>>)
    %dma_wait3A_601 = arith.constant 3 : i32
    %dma_wait3A_602 = arith.constant 0 : i32
    %dma_wait3A_603 = tpu.memref_slice %arg4[%dma_wait3A_601, %multiple_of3A_492, %dma_wait3A_602] : memref<4x2048x1024xf32, #tpu.memory_space<hbm>> -> memref<1x16x1024xf32, #tpu.memory_space<hbm>>
    %dma_wait3A_604 = tpu.memref_squeeze %dma_wait3A_603 : memref<1x16x1024xf32, #tpu.memory_space<hbm>> -> memref<16x1024xf32, #tpu.memory_space<hbm>>
    %dma_wait3A_605 = arith.constant 0 : i32
    %dma_wait3A_606 = tpu.memref_slice %arg4[%dma_wait3A_601, %multiple_of3A_492, %dma_wait3A_605] : memref<4x2048x1024xf32, #tpu.memory_space<hbm>> -> memref<1x16x1024xf32, #tpu.memory_space<hbm>>
    %dma_wait3A_607 = tpu.memref_squeeze %dma_wait3A_606 : memref<1x16x1024xf32, #tpu.memory_space<hbm>> -> memref<16x1024xf32, #tpu.memory_space<hbm>>
    tpu.wait_dma2 semaphore(%arg20 : memref<!tpu.dma_semaphore, #tpu.memory_space<semaphore_mem>>) src(%arg8 : memref<16x1024xf32, #tpu.memory_space<vmem>>) dst(%dma_wait3A_607 : memref<16x1024xf32, #tpu.memory_space<hbm>>)
    %dma_wait3A_608 = arith.constant 0 : i32
    %dma_wait3A_609 = arith.constant 0 : i32
    %dma_wait3A_610 = tpu.memref_slice %arg4[%dma_wait3A_608, %multiple_of3A_533, %dma_wait3A_609] : memref<4x2048x1024xf32, #tpu.memory_space<hbm>> -> memref<1x16x1024xf32, #tpu.memory_space<hbm>>
    %dma_wait3A_611 = tpu.memref_squeeze %dma_wait3A_610 : memref<1x16x1024xf32, #tpu.memory_space<hbm>> -> memref<16x1024xf32, #tpu.memory_space<hbm>>
    %dma_wait3A_612 = arith.constant 0 : i32
    %dma_wait3A_613 = tpu.memref_slice %arg4[%dma_wait3A_608, %multiple_of3A_533, %dma_wait3A_612] : memref<4x2048x1024xf32, #tpu.memory_space<hbm>> -> memref<1x16x1024xf32, #tpu.memory_space<hbm>>
    %dma_wait3A_614 = tpu.memref_squeeze %dma_wait3A_613 : memref<1x16x1024xf32, #tpu.memory_space<hbm>> -> memref<16x1024xf32, #tpu.memory_space<hbm>>
    tpu.wait_dma2 semaphore(%arg21 : memref<!tpu.dma_semaphore, #tpu.memory_space<semaphore_mem>>) src(%arg9 : memref<16x1024xf32, #tpu.memory_space<vmem>>) dst(%dma_wait3A_614 : memref<16x1024xf32, #tpu.memory_space<hbm>>)
    %dma_wait3A_615 = arith.constant 1 : i32
    %dma_wait3A_616 = arith.constant 0 : i32
    %dma_wait3A_617 = tpu.memref_slice %arg4[%dma_wait3A_615, %multiple_of3A_553, %dma_wait3A_616] : memref<4x2048x1024xf32, #tpu.memory_space<hbm>> -> memref<1x16x1024xf32, #tpu.memory_space<hbm>>
    %dma_wait3A_618 = tpu.memref_squeeze %dma_wait3A_617 : memref<1x16x1024xf32, #tpu.memory_space<hbm>> -> memref<16x1024xf32, #tpu.memory_space<hbm>>
    %dma_wait3A_619 = arith.constant 0 : i32
    %dma_wait3A_620 = tpu.memref_slice %arg4[%dma_wait3A_615, %multiple_of3A_553, %dma_wait3A_619] : memref<4x2048x1024xf32, #tpu.memory_space<hbm>> -> memref<1x16x1024xf32, #tpu.memory_space<hbm>>
    %dma_wait3A_621 = tpu.memref_squeeze %dma_wait3A_620 : memref<1x16x1024xf32, #tpu.memory_space<hbm>> -> memref<16x1024xf32, #tpu.memory_space<hbm>>
    tpu.wait_dma2 semaphore(%arg22 : memref<!tpu.dma_semaphore, #tpu.memory_space<semaphore_mem>>) src(%arg10 : memref<16x1024xf32, #tpu.memory_space<vmem>>) dst(%dma_wait3A_621 : memref<16x1024xf32, #tpu.memory_space<hbm>>)
    %dma_wait3A_622 = arith.constant 2 : i32
    %dma_wait3A_623 = arith.constant 0 : i32
    %dma_wait3A_624 = tpu.memref_slice %arg4[%dma_wait3A_622, %multiple_of3A_573, %dma_wait3A_623] : memref<4x2048x1024xf32, #tpu.memory_space<hbm>> -> memref<1x16x1024xf32, #tpu.memory_space<hbm>>
    %dma_wait3A_625 = tpu.memref_squeeze %dma_wait3A_624 : memref<1x16x1024xf32, #tpu.memory_space<hbm>> -> memref<16x1024xf32, #tpu.memory_space<hbm>>
    %dma_wait3A_626 = arith.constant 0 : i32
    %dma_wait3A_627 = tpu.memref_slice %arg4[%dma_wait3A_622, %multiple_of3A_573, %dma_wait3A_626] : memref<4x2048x1024xf32, #tpu.memory_space<hbm>> -> memref<1x16x1024xf32, #tpu.memory_space<hbm>>
    %dma_wait3A_628 = tpu.memref_squeeze %dma_wait3A_627 : memref<1x16x1024xf32, #tpu.memory_space<hbm>> -> memref<16x1024xf32, #tpu.memory_space<hbm>>
    tpu.wait_dma2 semaphore(%arg23 : memref<!tpu.dma_semaphore, #tpu.memory_space<semaphore_mem>>) src(%arg11 : memref<16x1024xf32, #tpu.memory_space<vmem>>) dst(%dma_wait3A_628 : memref<16x1024xf32, #tpu.memory_space<hbm>>)
    %dma_wait3A_629 = arith.constant 3 : i32
    %dma_wait3A_630 = arith.constant 0 : i32
    %dma_wait3A_631 = tpu.memref_slice %arg4[%dma_wait3A_629, %multiple_of3A_593, %dma_wait3A_630] : memref<4x2048x1024xf32, #tpu.memory_space<hbm>> -> memref<1x16x1024xf32, #tpu.memory_space<hbm>>
    %dma_wait3A_632 = tpu.memref_squeeze %dma_wait3A_631 : memref<1x16x1024xf32, #tpu.memory_space<hbm>> -> memref<16x1024xf32, #tpu.memory_space<hbm>>
    %dma_wait3A_633 = arith.constant 0 : i32
    %dma_wait3A_634 = tpu.memref_slice %arg4[%dma_wait3A_629, %multiple_of3A_593, %dma_wait3A_633] : memref<4x2048x1024xf32, #tpu.memory_space<hbm>> -> memref<1x16x1024xf32, #tpu.memory_space<hbm>>
    %dma_wait3A_635 = tpu.memref_squeeze %dma_wait3A_634 : memref<1x16x1024xf32, #tpu.memory_space<hbm>> -> memref<16x1024xf32, #tpu.memory_space<hbm>>
    tpu.wait_dma2 semaphore(%arg19 : memref<!tpu.dma_semaphore, #tpu.memory_space<semaphore_mem>>) src(%arg7 : memref<16x1024xf32, #tpu.memory_space<vmem>>) dst(%dma_wait3A_635 : memref<16x1024xf32, #tpu.memory_space<hbm>>)
    return
  }
}

</mosaic_0001>

<sc_bundles>
// kernel: kernel.3.cloned.1.call-start
scs
__scs_entry_jumppad:
0x0: {  	(pc) =	sbr.rel $0x88, $3  }
0x1: {  	(tag) =	ssettag $0x0;
	lr =	simm.s32 $0x1  }
0x2: {  	[smem:$0x3F9F] =	sst lr;
	_ =	strace $0xD0000000  }
0x3: {  	_ = 	snop  }
0x4: {  	_ = 	snop  }
0x5: {  	_ = 	snop  }
0x6: {  	_ = 	snop  }
0x7: {  	_ = 	snop  }
__scs_overlays_trampoline_lowered:
0x8: {  	[smem:$0x3FAE] =	sst s0  }
0x9: {  	[smem:$0x3FAF] =	sst s1  }
0xa: {  	[smem:$0x3FB0] =	sst s2  }
0xb: {  	[smem:$0x3FB1] =	sst s3  }
0xc: {  	[smem:$0x3FB2] =	sst s4  }
0xd: {  	[smem:$0x3FB3] =	sst s5  }
0xe: {  	[smem:$0x3FB4] =	sst s6  }
0xf: {  	[smem:$0x3FB5] =	sst s7  }
0x10: {  	[smem:$0x3FB6] =	sst s8  }
0x11: {  	[smem:$0x3FB7] =	sst s9;
	s0 =	simm.s32 @!p0 $0x0  }
0x12: {  	s1 =	sld [smem:$0x3F9D];
	s0 =	simm.s32 @p0 $0x1  }
0x13: {  	[smem:$0x3FB8] =	sst s0;
	s0 =	simm.s32 @!p1 $0x0  }
0x14: {  	s2 =	sld [smem:$0x3F9C];
	s0 =	simm.s32 @p1 $0x1  }
0x15: {  	[smem:$0x3FB9] =	sst s0;
	s0 =	simm.s32 @!p2 $0x0  }
0x16: {  	s3 =	sld [smem:$0x3FDB];
	s0 =	simm.s32 @p2 $0x1  }
0x17: {  	s4 =	simm.s32 $0x1BF5;
	[smem:$0x3FBB] =	sst s0  }
0x18: {  	s0 =	sld [smem:$0x3F9E];
	_ =	swait.ge [sflag:s4], $0x0  }
0x19: {  	s7 =	sld [smem:$0x3F9F]  }
0x1a: {  	s8 =	sadd.s32 $0xFFFFE003, lr  }
0x1b: {  	s9 =	sadd.s32 $0xFFFFFEF7, lr;
	s5 =	simm.s32 $0xFFFFFFFF;
	p2 =	slt.u32 s8, $0xFFFFF086  }
0x1c: {  	p1 =	slt.u32 s9, $0xF7A;
	s5 =	simm.s32 @!p2 $0x0  }
0x1d: {  	s5 =	simm.s32 @p1 $0x1;
	p0 =	seq.s32 s7, s2  }
0x1e: {  	s7 =	smul.u32 @!p0 $0xF7A, s2;
	p2 =	seq.s32 @!p0 s5, $0x0  }
0x1f: {  	s9 =	smul.u32 $0xF7A, s1;
	s8 =	simm.s32 @!p0 $0x1BF5;
	p2 =	por !p2, p0  }
0x20: {  	[sflag:s8] =	ssyncset.s32 @!p0 $0xFFFFF086;
	s6 =	sadd.s32 @!p0 s3, s7;
	s7 =	simm.s32 @!p0 $0x108  }
0x21: {  	s3 =	sadd.s32 s3, s9;
	s6 =	sadd.s32 @!p0 $0x88, s6;
	s7 =	simm.s32 @p2 $0x1082  }
0x22: {  	[simem:s7], [sflag:s8] =	dma.local @!p0 [hbm:s6], $0xF7A  }
0x23: {  	s9 =	sor.u32 $0xD0000000, s2;
	s6 =	simm.s32 $0x108;
	_ =	swait.ge @!p0 [sflag:s8], $0x0  }
0x24: {  	s3 =	sadd.s32 $0x88, s3;
	s6 =	simm.s32 @!p1 $0x1082;
	[sflag:s4] =	ssyncset.s32 $0xFFFFF086  }
0x25: {  	[simem:s6], [sflag:s4] =	dma.local [hbm:s3], $0xF7A  }
0x26: {  	[smem:$0x3F9F] =	sst s1;
	(tag) =	ssettag s2;
	_ =	strace s9  }
0x27: {  	s1 =	sld [smem:$0x3FAF]  }
0x28: {  	s2 =	sld [smem:$0x3FB0]  }
0x29: {  	s4 =	sld [smem:$0x3FB2]  }
0x2a: {  	p0 =	seq.s32 s5, $0x0;
	s5 =	sld [smem:$0x3FB3]  }
0x2b: {  	s6 =	sld [smem:$0x3FB4]  }
0x2c: {  	s7 =	sld [smem:$0x3FB5]  }
0x2d: {  	s3 =	simm.s32 $0x108;
	s8 =	sld [smem:$0x3FB6]  }
0x2e: {  	s3 =	simm.s32 @!p0 $0x1082;
	s9 =	sld [smem:$0x3FB7]  }
0x2f: {  	lr =	sadd.s32 s0, s3;
	s0 =	sld [smem:$0x3FAE]  }
0x30: {  	s3 =	sld [smem:$0x3FB1]  }
0x31: {  	[smem:$0x3FBA] =	sst s10  }
0x32: {  	s10 =	sld [smem:$0x3FB8];
	_ =	sdelay $0x3  }
0x33: {  	p0 =	seq.s32 s10, $0x1;
	s10 =	sld [smem:$0x3FBA];
	_ =	sdelay $0x3  }
0x34: {  	[smem:$0x3FBA] =	sst s10  }
0x35: {  	s10 =	sld [smem:$0x3FB9];
	_ =	sdelay $0x3  }
0x36: {  	p1 =	seq.s32 s10, $0x1;
	s10 =	sld [smem:$0x3FBA];
	_ =	sdelay $0x3  }
0x37: {  	[smem:$0x3FBA] =	sst s10  }
0x38: {  	s10 =	sld [smem:$0x3FBB]  }
0x39: {  	_ = 	snop;
	(pc) =	sbr.ind lr, $3  }
0x3a: {  	_ = 	snop  }
0x3b: {  	_ = 	snop  }
0x3c: {  	p2 =	seq.s32 s10, $0x1;
	s10 =	sld [smem:$0x3FBA]  }
0x3d: {  	_ =	shalt  }
0x3e: {  	_ =	shalt  }
0x3f: {  	_ =	shalt  }
0x40: {  	_ =	shalt  }
0x41: {  	_ =	shalt  }
0x42: {  	_ =	shalt  }
0x43: {  	_ =	shalt  }
0x44: {  	_ =	shalt  }
0x45: {  	_ =	shalt  }
0x46: {  	_ =	shalt  }
0x47: {  	_ =	shalt  }
0x48: {  	_ =	shalt  }
0x49: {  	_ =	shalt  }
0x4a: {  	_ =	shalt  }
0x4b: {  	_ =	shalt  }
0x4c: {  	_ =	shalt  }
0x4d: {  	_ =	shalt  }
0x4e: {  	_ =	shalt  }
0x4f: {  	_ =	shalt  }
0x50: {  	_ =	shalt  }
0x51: {  	_ =	shalt  }
0x52: {  	_ =	shalt  }
0x53: {  	_ =	shalt  }
0x54: {  	_ =	shalt  }
0x55: {  	_ =	shalt  }
0x56: {  	_ =	shalt  }
0x57: {  	_ =	shalt  }
0x58: {  	_ =	shalt  }
0x59: {  	_ =	shalt  }
0x5a: {  	_ =	shalt  }
0x5b: {  	_ =	shalt  }
0x5c: {  	_ =	shalt  }
0x5d: {  	_ =	shalt  }
0x5e: {  	_ =	shalt  }
0x5f: {  	_ =	shalt  }
0x60: {  	_ =	shalt  }
0x61: {  	_ =	shalt  }
0x62: {  	_ =	shalt  }
0x63: {  	_ =	shalt  }
0x64: {  	_ =	shalt  }
0x65: {  	_ =	shalt  }
0x66: {  	_ =	shalt  }
0x67: {  	_ =	shalt  }
0x68: {  	_ =	shalt  }
0x69: {  	_ =	shalt  }
0x6a: {  	_ =	shalt  }
0x6b: {  	_ =	shalt  }
0x6c: {  	_ =	shalt  }
0x6d: {  	_ =	shalt  }
0x6e: {  	_ =	shalt  }
0x6f: {  	_ =	shalt  }
0x70: {  	_ =	shalt  }
0x71: {  	_ =	shalt  }
0x72: {  	_ =	shalt  }
0x73: {  	_ =	shalt  }
0x74: {  	_ =	shalt  }
0x75: {  	_ =	shalt  }
0x76: {  	_ =	shalt  }
0x77: {  	_ =	shalt  }
0x78: {  	_ =	shalt  }
0x79: {  	_ =	shalt  }
0x7a: {  	_ =	shalt  }
0x7b: {  	_ =	shalt  }
0x7c: {  	_ =	shalt  }
0x7d: {  	_ =	shalt  }
0x7e: {  	_ =	shalt  }
0x7f: {  	_ =	shalt  }
0x80: {  	_ =	shalt  }
0x81: {  	_ =	shalt  }
0x82: {  	_ =	shalt  }
0x83: {  	_ =	shalt  }
0x84: {  	_ =	shalt  }
0x85: {  	_ =	shalt  }
0x86: {  	_ =	shalt  }
0x87: {  	_ =	shalt  }
.Lfunc_end0:
.L_simem_size_0:
called_computation_lowered:
.L_overlay_start_0:
0x88: {  	s2 =	sld [smem:$0x3FD9]  }
0x89: {  	s3 =	sld [smem:$0x3FFE];
	_ =	sdelay $0x1  }
0x8a: {  	s1 =	srdreg.scid  }
0x8b: {  	s0 =	sand.u32 $0x1, s1  }
0x8c: {  	s18 =	sshll.u32 s0, $0xA;
	s2 =	sadd.s32 s3, s2  }
0x8d: {  	s2 =	sadd.s32 s2, s18  }
0x8e: {  	[smem:$0x3FC6] =	sst s2  }
0x8f: {  	_ = 	snop  }
0x90: {  	s2 =	sld [smem:$0x3FC9]  }
0x91: {  	s19 =	sld [smem:$0x3FC8]  }
0x92: {  	s4 =	sld [smem:$0x3FD0];
	(tm) =	ssettm $0x1  }
0x93: {  	s5 =	sld [smem:$0x3FFB];
	_ =	sdelay $0x3  }
0x94: {  	_ =	strace s5  }
0x95: {  	s5 =	sld [smem:$0x3FFC];
	_ =	sdelay $0x3  }
0x96: {  	_ =	strace s5  }
0x97: {  	s5 =	sld [smem:$0x3FFD];
	_ =	sdelay $0x3  }
0x98: {  	_ =	strace s5  }
0x99: {  	_ =	strace $0x8FFFFFFF  }
0x9a: {  	s20 =	sld [smem:$0x3FDB];
	_ =	sdelay $0x1  }
0x9b: {  	s6 =	simm.s32 $_scs_section_size  }
0x9c: {  	s7 =	simm.s32 $_size__tile_overlayer_lowered;
	s8 =	simm.s32 $_tile_overlayer_lowered  }
0x9d: {  	s23 =	simm.s32 $0x1BFF;
	s22 =	sshll.u32 s8, $0x1;
	s5 =	sadd.s32 s6, s20  }
0x9e: {  	s9 =	simm.s32 $0x0;
	s21 =	sshll.u32 s7, $0x1;
	s7 =	sadd.s32 s22, s5  }
0x9f: {  	[timem:s9], [sflag:s23] =	dma.local [hbm:s7], s21  }
0xa0: {  	_ =	swait.ge [sflag:s23], s21  }
0xa1: {  	s6 =	ssub.s32 $0x0, s21;
	[sflag:s23] =	ssyncset.done $0x0  }
0xa2: {  	[sflag:s23] =	ssyncadd.s32 s6;
	_ =	sdelay $0x1  }
0xa3: {  	s24 =	simm.s32 $0x1B8B  }
0xa4: {  	_ =	swait.ge [sflag:s24], $0x1  }
0xa5: {  	[sflag:s24] =	ssyncset.done $0x0  }
0xa6: {  	s25 =	simm.s32 $0x1B8E;
	[sflag:s24] =	ssyncadd.s32 $0xFFFFFFFF  }
0xa7: {  	s26 =	simm.s32 $execute0_lowered;
	[smem:$0x3FD2] =	sst s25  }
0xa8: {  	s6 =	sshll.u32 s26, $0x1;
	_ =	strace $0x80000046;
	[dreg:$0x1] =	wrdreg $0xFFFFFFFF  }
0xa9: {  	s28 =	simm.s32 $_size_execute0_lowered;
	s5 =	sadd.s32 s5, s6;
	[dreg:$0x0] =	wrdreg $0x0  }
0xaa: {  	s6 =	sshll.u32 s28, $0x1;
	[dreg:$0x2] =	wrdreg s5  }
0xab: {  	[dreg:$0x3] =	wrdreg s6  }
0xac: {  	[dreg:$0x4] =	wrdreg $0xC0  }
0xad: {  	_ =	task [dreg:s9], $0x5FFFF  }
0xae: {  	[dreg:$0x1] =	wrdreg $0xFFFFFFFF  }
0xaf: {  	[dreg:$0x0] =	wrdreg $0x60  }
0xb0: {  	[dreg:$0x2] =	wrdreg s2  }
0xb1: {  	[dreg:$0x3] =	wrdreg s19  }
0xb2: {  	[dreg:$0x4] =	wrdreg s4  }
0xb3: {  	[dreg:$0x5] =	wrdreg $0x9  }
0xb4: {  	_ =	task.clear_ibuf [dreg:s9], $0x6FFFF;
	_ =	strace $0x90000046  }
0xb5: {  	s29 =	simm.s32 $0x9;
	_ =	strace $0x80000048  }
0xb6: {  	_ =	swait.ge [sflag:s29], $0x1  }
0xb7: {  	[sflag:s29] =	ssyncadd.s32 $0xFFFFFFFF  }
0xb8: {  	_ =	strace $0x90000048  }
0xb9: {  	_ =	sfence  }
0xba: {  	s30 =	sld [smem:$0x0];
	_ =	sdelay $0x2  }
0xbb: {  	s31 =	sshll.u32 s1, $0xD;
	s1 =	sshrl.u32 s1, $0x2  }
0xbc: {  	s3 =	sand.u32 $0x4000, s31;
	s1 =	sadd.s32 s1, s30  }
0xbd: {  	s0 =	sor.u32 s3, s0;
	s1 =	sshll.u32 s1, $0x11  }
0xbe: {  	s0 =	sor.u32 s1, s0  }
0xbf: {  	s0 =	sadd.s32 $0x8F2B, s0  }
0xc0: {  	[sflag:s0] =	ssyncadd.remote.s32 $0x1  }
0xc1: {  	_ =	sfence.sel $0xFFFF  }
0xc2: {  	[dreg:$0x0] =	wrdreg $0xFFFFFFFF;
	(pc) =	sbr.abs _section_cstart, $3  }
0xc3: {  	[dreg:$0x1] =	wrdreg $0xFFFFFFFF  }
0xc4: {  	_ =	task.clear_ibuf [dreg:s9], $0x2FFFF;
	_ =	strace $0x9FFFFFFF  }
0xc5: {  	(tm) =	ssettm $0x7FFFFFFF  }
tec
execute0_lowered:
.L_overlay_start_1:
0x0: {  	(tag) =	ssettag $0x1  }
0x1: {  	s0 =	rddreg [dreg:$0x0];
	s1 =	srdreg.scid  }
0x2: {  	s2 =	rddreg [dreg:$0x1];
	s5 =	stileid.u32;
	s1 =	sand.u32 $0x1, s1  }
0x3: {  	s3 =	rddreg [dreg:$0x2];
	s5 =	sshll.u32 s5, $0xE;
	s6 =	sshll.u32 s1, $0xD  }
0x4: {  	s4 =	ssub.s32 $0x2, s1;
	s1 =	simm.s32 $0x0;
	s5 =	sor.u32 s6, s5  }
0x5: {  	[smem:$0x7FF] =	sst s1;
	s14 =	sor.u32 $0x40000, s5;
	s6 =	sadd.s32 s2, s5  }
0x6: {  	s16 =	sor.u32 $0x80000, s5;
	[dreg:$0x4] =	wrdreg s6;
	s15 =	sadd.s32 s0, s14  }
0x7: {  	s18 =	sor.u32 $0xC0000, s5;
	s17 =	sadd.s32 s0, s16;
	[dreg:$0x5] =	wrdreg s15  }
0x8: {  	s9 =	sor.u32 $0x800, s5;
	s10 =	sadd.s32 s0, s18;
	[dreg:$0x6] =	wrdreg s17  }
0x9: {  	s7 =	sshrl.u32 s4, $0x1;
	s19 =	sadd.s32 s2, s9;
	[dreg:$0x7] =	wrdreg s10  }
0xa: {  	s8 =	ssub.s32 s4, s7;
	s20 =	sadd.s32 s0, s9;
	[dreg:$0x8] =	wrdreg s19  }
0xb: {  	s21 =	sor.u32 $0x40800, s5;
	s4 =	sadd.s32 s3, s14;
	[dreg:$0x9] =	wrdreg s20  }
0xc: {  	s11 =	sadd.s32 s0, s21;
	[dreg:$0xa] =	wrdreg s4  }
0xd: {  	s22 =	sor.u32 $0x80800, s5;
	s6 =	sadd.s32 s3, s16;
	[dreg:$0xb] =	wrdreg s11  }
0xe: {  	s23 =	sadd.s32 s0, s22;
	[dreg:$0xc] =	wrdreg s6  }
0xf: {  	s25 =	sor.u32 $0xC0800, s5;
	s24 =	sadd.s32 s3, s18;
	[dreg:$0xd] =	wrdreg s23  }
0x10: {  	s26 =	sor.u32 $0x1000, s5;
	s28 =	sadd.s32 s0, s25;
	[dreg:$0xe] =	wrdreg s24  }
0x11: {  	s29 =	sadd.s32 s2, s26;
	[dreg:$0xf] =	wrdreg s28  }
0x12: {  	s31 =	sor.u32 $0x1800, s5;
	s9 =	sadd.s32 s3, s9;
	[dreg:$0x10] =	wrdreg s29  }
0x13: {  	s13 =	sor.u32 $0x81000, s5;
	s30 =	sadd.s32 s3, s22;
	[dreg:$0x11] =	wrdreg s9  }
0x14: {  	s2 =	sadd.s32 s2, s31;
	s14 =	sor.u32 $0xC1000, s5;
	[dreg:$0x13] =	wrdreg s30  }
0x15: {  	s18 =	sadd.s32 s0, s5;
	s22 =	sor.u32 $0xC1800, s5;
	[dreg:$0x15] =	wrdreg s2  }
0x16: {  	s4 =	sadd.s32 s3, s21;
	s6 =	sadd.s32 s3, s25;
	[dreg:$0x1e] =	wrdreg s18  }
0x17: {  	s9 =	sor.u32 $0x41000, s5;
	s10 =	sadd.s32 s0, s26;
	[dreg:$0x12] =	wrdreg s4  }
0x18: {  	s11 =	sadd.s32 s3, s26;
	s15 =	sadd.s32 s0, s13;
	[dreg:$0x14] =	wrdreg s6  }
0x19: {  	s16 =	sadd.s32 s0, s14;
	s17 =	sadd.s32 s3, s14;
	[dreg:$0x16] =	wrdreg s10  }
0x1a: {  	s19 =	sadd.s32 s3, s5;
	s20 =	sor.u32 $0x41800, s5;
	[dreg:$0x17] =	wrdreg s11  }
0x1b: {  	s21 =	sor.u32 $0x81800, s5;
	s23 =	sadd.s32 s0, s31;
	[dreg:$0x1a] =	wrdreg s15  }
0x1c: {  	s26 =	sadd.s32 s3, s31;
	s30 =	sadd.s32 s3, s22;
	[dreg:$0x1c] =	wrdreg s16  }
0x1d: {  	s31 =	smax.u32 s8, $0x1;
	s18 =	simm.s32 $0x8;
	[dreg:$0x1d] =	wrdreg s17  }
0x1e: {  	s14 =	simm.s32 $0xC;
	s12 =	sadd.s32 s0, s9;
	[dreg:$0x1f] =	wrdreg s19  }
0x1f: {  	s2 =	sadd.s32 s3, s9;
	[smem:$0x7F5] =	sst s23;
	s24 =	sadd.s32 s0, s20  }
0x20: {  	s25 =	sadd.s32 s0, s21;
	s0 =	sadd.s32 s0, s22;
	[smem:$0x7F9] =	sst s26  }
0x21: {  	s28 =	sadd.s32 s3, s20;
	s29 =	sadd.s32 s3, s21;
	[smem:$0x7FC] =	sst s30  }
0x22: {  	s9 =	simm.s32 $0x8000;
	s10 =	simm.s32 $0xC000;
	[dreg:$0x18] =	wrdreg s12  }
0x23: {  	s11 =	simm.s32 $0x10000;
	s15 =	simm.s32 $0x3;
	[dreg:$0x19] =	wrdreg s2  }
0x24: {  	s16 =	simm.s32 $0x18000;
	s17 =	simm.s32 $0x4;
	[smem:$0x7F6] =	sst s24  }
0x25: {  	s19 =	simm.s32 $0x5;
	s20 =	simm.s32 $0x9;
	[smem:$0x7F7] =	sst s25  }
0x26: {  	s21 =	simm.s32 $0x6;
	s22 =	simm.s32 $0xA;
	[smem:$0x7F8] =	sst s0  }
0x27: {  	s23 =	simm.s32 $0x2;
	s26 =	simm.s32 $0x0;
	[smem:$0x7FA] =	sst s28  }
0x28: {  	s2 =	sadd.s32 s3, s13;
	[smem:$0x7FB] =	sst s29;
	s12 =	simm.s32 $0x14000  }
0x29: {  	s13 =	simm.s32 $0x1;
	s24 =	simm.s32 $0x7;
	[dreg:$0x1b] =	wrdreg s2  }
0x2a: {  	s25 =	simm.s32 $0xB;
	_ =	strace $0x80000047;
	[smem:$0x7FD] =	sst s31  }
.LBB2_1:
0x2b: {  	s0 =	rddreg [dreg:$0x4]  }
0x2c: {  	[tilespmem:s1], [sflag:$0x1] =	stream.linear.gather [hbm4b:s0+s1], $0x4000, $0x38;
	[tilespmem:$0x1C000] =	vst v63  }
0x2d: {  	s7 =	rddreg [dreg:$0x1e]  }
0x2e: {  	[tilespmem:s9], [sflag:$0x3] =	stream.linear.gather [hbm4b:s7+s1], $0x4000, $0x38;
	[tilespmem:$0x1C000] =	vst v63  }
0x2f: {  	s8 =	rddreg [dreg:$0x5]  }
0x30: {  	[tilespmem:s10], [sflag:$0x4] =	stream.linear.gather [hbm4b:s8+s1], $0x4000, $0x38;
	[tilespmem:$0x1C000] =	vst v63  }
0x31: {  	s2 =	rddreg [dreg:$0x6]  }
0x32: {  	[tilespmem:s11], [sflag:$0x5] =	stream.linear.gather [hbm4b:s2+s1], $0x4000, $0x38;
	[tilespmem:$0x1C000] =	vst v63  }
0x33: {  	s3 =	rddreg [dreg:$0x7]  }
0x34: {  	[tilespmem:s12], [sflag:$0x6] =	stream.linear.gather [hbm4b:s3+s1], $0x4000, $0x38;
	[tilespmem:$0x1C000] =	vst v63  }
0x35: {  	_ =	swait.ge [sflag:s13], $0x4000  }
0x36: {  	s28 =	simm.s32 $0x0;
	[sflag:s13] =	ssyncset.done $0x0  }
0x37: {  	s2 =	simm.s32 $0x4000;
	s4 =	rddreg [dreg:$0x8];
	[sflag:s13] =	ssyncadd.s32 $0xFFFFC000  }
0x38: {  	[tilespmem:s2], [sflag:$0x2] =	stream.linear.gather [hbm4b:s4+s1], $0x4000, $0x38;
	[tilespmem:$0x1C000] =	vst v63  }
0x39: {  	s6 =	sand.u32 $0x1C00, s1;
	s5 =	sand.u32 $0x2000, s28;
	_ =	swait.ge [sflag:s15], $0x4000  }
0x3a: {  	s0 =	sor.u32 s5, s6;
	s7 =	sand.u32 $0x380, s1;
	[sflag:s15] =	ssyncset.done $0x0  }
0x3b: {  	s0 =	sor.u32 s7, s0;
	[sflag:s15] =	ssyncadd.s32 $0xFFFFC000  }
0x3c: {  	v0 =	vld [tilespmem:s0+$0x70]  }
0x3d: {  	v4 =	vld [tilespmem:s0+$0x0]  }
0x3e: {  	v5 =	vld [tilespmem:s0+$0x10]  }
0x3f: {  	v6 =	vld [tilespmem:s0+$0x20]  }
0x40: {  	v2 =	vld [tilespmem:s0+$0x30]  }
0x41: {  	v3 =	vld [tilespmem:s0+$0x40]  }
0x42: {  	s2 =	sor.u32 $0x8070, s0;
	v1 =	vld [tilespmem:s0+$0x60]  }
0x43: {  	[tilespmem:s2+$0x0] =	vst.add.f32.msk $0xffff, v0  }
0x44: {  	s8 =	sor.u32 $0x8000, s0;
	v0 =	vld [tilespmem:s0+$0x50]  }
0x45: {  	s29 =	sor.u32 $0x8010, s0;
	s30 =	sor.u32 $0x8020, s0;
	[tilespmem:s8+$0x0] =	vst.add.f32.msk $0xffff, v4  }
0x46: {  	s31 =	sor.u32 $0x8050, s0;
	s3 =	sor.u32 $0x8030, s0;
	s2 =	sor.u32 $0x8040, s0;
	[tilespmem:s29+$0x0] =	vst.add.f32.msk $0xffff, v5  }
0x47: {  	s0 =	sor.u32 $0x8060, s0;
	[tilespmem:s30+$0x0] =	vst.add.f32.msk $0xffff, v6;
	s29 =	simm.s32 $0x0;
	s30 =	simm.s32 $0x0  }
.LBB2_2:
0x48: {  	s28 =	sadd.s32 $0x80, s28;
	[tilespmem:s3+$0x0] =	vst.add.f32.msk $0xffff, v2;
	s29 =	sadd.s32 $0x400, s29  }
0x49: {  	s30 =	sadd.s32 $0x10, s30;
	s3 =	sand.u32 $0x2000, s28;
	s4 =	sand.u32 $0x1C00, s29;
	[tilespmem:s2+$0x0] =	vst.add.f32.msk $0xffff, v3  }
0x4a: {  	p0 =	slt.u32 s28, $0x3F80;
	s2 =	sor.u32 s3, s4;
	s3 =	sand.u32 $0x380, s30;
	[tilespmem:s31+$0x0] =	vst.add.f32.msk $0xffff, v0  }
0x4b: {  	s4 =	sor.u32 s3, s2;
	[tilespmem:s0+$0x0] =	vst.add.f32.msk $0xffff, v1  }
0x4c: {  	s5 =	sor.u32 $0x8000, s4;
	s6 =	sor.u32 $0x8010, s4;
	s7 =	sor.u32 $0x8020, s4;
	v0 =	vld [tilespmem:s4+$0x70]  }
0x4d: {  	s3 =	sor.u32 $0x8030, s4;
	s2 =	sor.u32 $0x8040, s4;
	s31 =	sor.u32 $0x8050, s4;
	v4 =	vld [tilespmem:s4+$0x0]  }
0x4e: {  	s0 =	sor.u32 $0x8060, s4;
	v5 =	vld [tilespmem:s4+$0x10]  }
0x4f: {  	v6 =	vld [tilespmem:s4+$0x20]  }
0x50: {  	s8 =	sor.u32 $0x8070, s4;
	v2 =	vld [tilespmem:s4+$0x30]  }
0x51: {  	[tilespmem:s8+$0x0] =	vst.add.f32.msk $0xffff, v0  }
0x52: {  	v3 =	vld [tilespmem:s4+$0x40]  }
.Ltmp0:
0x53: {  	v0 =	vld [tilespmem:s4+$0x50];
	(pc) =	sbr.rel @p0 .LBB2_2-.Ltmp0, $4  }
0x54: {  	v1 =	vld [tilespmem:s4+$0x60]  }
0x55: {  	[tilespmem:s5+$0x0] =	vst.add.f32.msk $0xffff, v4  }
0x56: {  	[tilespmem:s6+$0x0] =	vst.add.f32.msk $0xffff, v5  }
0x57: {  	[tilespmem:s7+$0x0] =	vst.add.f32.msk $0xffff, v6  }
0x58: {  	[tilespmem:s3+$0x0] =	vst.add.f32.msk $0xffff, v2  }
0x59: {  	[tilespmem:s2+$0x0] =	vst.add.f32.msk $0xffff, v3  }
0x5a: {  	[tilespmem:s31+$0x0] =	vst.add.f32.msk $0xffff, v0  }
0x5b: {  	[tilespmem:s0+$0x0] =	vst.add.f32.msk $0xffff, v1  }
0x5c: {  	s28 =	simm.s32 $0x0;
	s0 =	rddreg [dreg:$0x1f]  }
0x5d: {  	[hbm4b:s0+s28] =	stream.linear.scatter [tilespmem:s9], [sflag:$0x8], $0x4000, $0x38;
	[tilespmem:$0x1C000] =	vst v63  }
0x5e: {  	s29 =	simm.s32 $0x0;
	s4 =	rddreg [dreg:$0x9]  }
0x5f: {  	[tilespmem:s16], [sflag:$0x7] =	stream.linear.gather [hbm4b:s4+s28], $0x4000, $0x38;
	[tilespmem:$0x1C000] =	vst v63  }
0x60: {  	s5 =	sand.u32 $0x2000, s29;
	s6 =	sand.u32 $0x1C00, s28;
	_ =	swait.ge [sflag:s17], $0x4000  }
0x61: {  	s7 =	sand.u32 $0x380, s28;
	s0 =	sor.u32 s5, s6;
	[sflag:s17] =	ssyncset.done $0x0  }
0x62: {  	s4 =	sor.u32 s7, s0;
	[sflag:s17] =	ssyncadd.s32 $0xFFFFC000  }
0x63: {  	v0 =	vld [tilespmem:s4+$0x70]  }
0x64: {  	v4 =	vld [tilespmem:s4+$0x0]  }
0x65: {  	v5 =	vld [tilespmem:s4+$0x10]  }
0x66: {  	v6 =	vld [tilespmem:s4+$0x20]  }
0x67: {  	v2 =	vld [tilespmem:s4+$0x30]  }
0x68: {  	v3 =	vld [tilespmem:s4+$0x40]  }
0x69: {  	s0 =	sor.u32 $0xC070, s4;
	v1 =	vld [tilespmem:s4+$0x60]  }
0x6a: {  	[tilespmem:s0+$0x0] =	vst.add.f32.msk $0xffff, v0  }
0x6b: {  	s8 =	sor.u32 $0xC000, s4;
	v0 =	vld [tilespmem:s4+$0x50]  }
0x6c: {  	s5 =	sor.u32 $0xC010, s4;
	[tilespmem:s8+$0x0] =	vst.add.f32.msk $0xffff, v4  }
0x6d: {  	s30 =	simm.s32 $0x0;
	s6 =	sor.u32 $0xC020, s4;
	s3 =	sor.u32 $0xC030, s4;
	[tilespmem:s5+$0x0] =	vst.add.f32.msk $0xffff, v5  }
0x6e: {  	s2 =	sor.u32 $0xC040, s4;
	s31 =	sor.u32 $0xC060, s4;
	s0 =	sor.u32 $0xC050, s4;
	[tilespmem:s6+$0x0] =	vst.add.f32.msk $0xffff, v6  }
.LBB2_4:
0x6f: {  	s29 =	sadd.s32 $0x80, s29;
	[tilespmem:s3+$0x0] =	vst.add.f32.msk $0xffff, v2;
	s28 =	sadd.s32 $0x400, s28  }
0x70: {  	s30 =	sadd.s32 $0x10, s30;
	s3 =	sand.u32 $0x2000, s29;
	s4 =	sand.u32 $0x1C00, s28;
	[tilespmem:s2+$0x0] =	vst.add.f32.msk $0xffff, v3  }
0x71: {  	p0 =	slt.u32 s29, $0x3F80;
	s2 =	sor.u32 s3, s4;
	s3 =	sand.u32 $0x380, s30;
	[tilespmem:s0+$0x0] =	vst.add.f32.msk $0xffff, v0  }
0x72: {  	s4 =	sor.u32 s3, s2;
	[tilespmem:s31+$0x0] =	vst.add.f32.msk $0xffff, v1  }
0x73: {  	s5 =	sor.u32 $0xC000, s4;
	s6 =	sor.u32 $0xC010, s4;
	s7 =	sor.u32 $0xC020, s4;
	v0 =	vld [tilespmem:s4+$0x70]  }
0x74: {  	s3 =	sor.u32 $0xC030, s4;
	s2 =	sor.u32 $0xC040, s4;
	s0 =	sor.u32 $0xC050, s4;
	v4 =	vld [tilespmem:s4+$0x0]  }
0x75: {  	s31 =	sor.u32 $0xC060, s4;
	v5 =	vld [tilespmem:s4+$0x10]  }
0x76: {  	v6 =	vld [tilespmem:s4+$0x20]  }
0x77: {  	s8 =	sor.u32 $0xC070, s4;
	v2 =	vld [tilespmem:s4+$0x30]  }
0x78: {  	[tilespmem:s8+$0x0] =	vst.add.f32.msk $0xffff, v0  }
0x79: {  	v3 =	vld [tilespmem:s4+$0x40]  }
.Ltmp1:
0x7a: {  	v0 =	vld [tilespmem:s4+$0x50];
	(pc) =	sbr.rel @p0 .LBB2_4-.Ltmp1, $4  }
0x7b: {  	v1 =	vld [tilespmem:s4+$0x60]  }
0x7c: {  	[tilespmem:s5+$0x0] =	vst.add.f32.msk $0xffff, v4  }
0x7d: {  	[tilespmem:s6+$0x0] =	vst.add.f32.msk $0xffff, v5  }
0x7e: {  	[tilespmem:s7+$0x0] =	vst.add.f32.msk $0xffff, v6  }
0x7f: {  	[tilespmem:s3+$0x0] =	vst.add.f32.msk $0xffff, v2  }
0x80: {  	[tilespmem:s2+$0x0] =	vst.add.f32.msk $0xffff, v3  }
0x81: {  	[tilespmem:s0+$0x0] =	vst.add.f32.msk $0xffff, v0  }
0x82: {  	[tilespmem:s31+$0x0] =	vst.add.f32.msk $0xffff, v1  }
0x83: {  	s28 =	simm.s32 $0x0;
	s0 =	rddreg [dreg:$0xa]  }
0x84: {  	[hbm4b:s0+s28] =	stream.linear.scatter [tilespmem:s10], [sflag:$0x9], $0x4000, $0x38;
	[tilespmem:$0x1C000] =	vst v63  }
0x85: {  	_ =	swait.ge [sflag:s18], $0x4000  }
0x86: {  	[sflag:s18] =	ssyncset.done $0x0  }
0x87: {  	s29 =	simm.s32 $0x0;
	s4 =	rddreg [dreg:$0xb];
	[sflag:s18] =	ssyncadd.s32 $0xFFFFC000  }
0x88: {  	[tilespmem:s9], [sflag:$0x3] =	stream.linear.gather [hbm4b:s4+s28], $0x4000, $0x38;
	[tilespmem:$0x1C000] =	vst v63  }
0x89: {  	s5 =	sand.u32 $0x2000, s29;
	s6 =	sand.u32 $0x1C00, s28;
	_ =	swait.ge [sflag:s19], $0x4000  }
0x8a: {  	s7 =	sand.u32 $0x380, s28;
	s0 =	sor.u32 s5, s6;
	[sflag:s19] =	ssyncset.done $0x0  }
0x8b: {  	s4 =	sor.u32 s7, s0;
	[sflag:s19] =	ssyncadd.s32 $0xFFFFC000  }
0x8c: {  	v0 =	vld [tilespmem:s4+$0x70]  }
0x8d: {  	v4 =	vld [tilespmem:s4+$0x0]  }
0x8e: {  	v5 =	vld [tilespmem:s4+$0x10]  }
0x8f: {  	v6 =	vld [tilespmem:s4+$0x20]  }
0x90: {  	v2 =	vld [tilespmem:s4+$0x30]  }
0x91: {  	v3 =	vld [tilespmem:s4+$0x40]  }
0x92: {  	s0 =	sor.u32 $0x10070, s4;
	v1 =	vld [tilespmem:s4+$0x60]  }
0x93: {  	[tilespmem:s0+$0x0] =	vst.add.f32.msk $0xffff, v0  }
0x94: {  	s8 =	sor.u32 $0x10000, s4;
	v0 =	vld [tilespmem:s4+$0x50]  }
0x95: {  	s5 =	sor.u32 $0x10010, s4;
	[tilespmem:s8+$0x0] =	vst.add.f32.msk $0xffff, v4  }
0x96: {  	s30 =	simm.s32 $0x0;
	s6 =	sor.u32 $0x10020, s4;
	s3 =	sor.u32 $0x10030, s4;
	[tilespmem:s5+$0x0] =	vst.add.f32.msk $0xffff, v5  }
0x97: {  	s2 =	sor.u32 $0x10040, s4;
	s31 =	sor.u32 $0x10060, s4;
	s0 =	sor.u32 $0x10050, s4;
	[tilespmem:s6+$0x0] =	vst.add.f32.msk $0xffff, v6  }
.LBB2_6:
0x98: {  	s29 =	sadd.s32 $0x80, s29;
	[tilespmem:s3+$0x0] =	vst.add.f32.msk $0xffff, v2;
	s28 =	sadd.s32 $0x400, s28  }
0x99: {  	s30 =	sadd.s32 $0x10, s30;
	s3 =	sand.u32 $0x2000, s29;
	s4 =	sand.u32 $0x1C00, s28;
	[tilespmem:s2+$0x0] =	vst.add.f32.msk $0xffff, v3  }
0x9a: {  	p0 =	slt.u32 s29, $0x3F80;
	s2 =	sor.u32 s3, s4;
	s3 =	sand.u32 $0x380, s30;
	[tilespmem:s0+$0x0] =	vst.add.f32.msk $0xffff, v0  }
0x9b: {  	s4 =	sor.u32 s3, s2;
	[tilespmem:s31+$0x0] =	vst.add.f32.msk $0xffff, v1  }
0x9c: {  	s5 =	sor.u32 $0x10000, s4;
	s6 =	sor.u32 $0x10010, s4;
	s7 =	sor.u32 $0x10020, s4;
	v0 =	vld [tilespmem:s4+$0x70]  }
0x9d: {  	s3 =	sor.u32 $0x10030, s4;
	s2 =	sor.u32 $0x10040, s4;
	s0 =	sor.u32 $0x10050, s4;
	v4 =	vld [tilespmem:s4+$0x0]  }
0x9e: {  	s31 =	sor.u32 $0x10060, s4;
	v5 =	vld [tilespmem:s4+$0x10]  }
0x9f: {  	v6 =	vld [tilespmem:s4+$0x20]  }
0xa0: {  	s8 =	sor.u32 $0x10070, s4;
	v2 =	vld [tilespmem:s4+$0x30]  }
0xa1: {  	[tilespmem:s8+$0x0] =	vst.add.f32.msk $0xffff, v0  }
0xa2: {  	v3 =	vld [tilespmem:s4+$0x40]  }
.Ltmp2:
0xa3: {  	v0 =	vld [tilespmem:s4+$0x50];
	(pc) =	sbr.rel @p0 .LBB2_6-.Ltmp2, $4  }
0xa4: {  	v1 =	vld [tilespmem:s4+$0x60]  }
0xa5: {  	[tilespmem:s5+$0x0] =	vst.add.f32.msk $0xffff, v4  }
0xa6: {  	[tilespmem:s6+$0x0] =	vst.add.f32.msk $0xffff, v5  }
0xa7: {  	[tilespmem:s7+$0x0] =	vst.add.f32.msk $0xffff, v6  }
0xa8: {  	[tilespmem:s3+$0x0] =	vst.add.f32.msk $0xffff, v2  }
0xa9: {  	[tilespmem:s2+$0x0] =	vst.add.f32.msk $0xffff, v3  }
0xaa: {  	[tilespmem:s0+$0x0] =	vst.add.f32.msk $0xffff, v0  }
0xab: {  	[tilespmem:s31+$0x0] =	vst.add.f32.msk $0xffff, v1  }
0xac: {  	s28 =	simm.s32 $0x0;
	s0 =	rddreg [dreg:$0xc]  }
0xad: {  	[hbm4b:s0+s28] =	stream.linear.scatter [tilespmem:s11], [sflag:$0xA], $0x4000, $0x38;
	[tilespmem:$0x1C000] =	vst v63  }
0xae: {  	_ =	swait.ge [sflag:s20], $0x4000  }
0xaf: {  	[sflag:s20] =	ssyncset.done $0x0  }
0xb0: {  	s29 =	simm.s32 $0x0;
	s4 =	rddreg [dreg:$0xd];
	[sflag:s20] =	ssyncadd.s32 $0xFFFFC000  }
0xb1: {  	[tilespmem:s10], [sflag:$0x4] =	stream.linear.gather [hbm4b:s4+s28], $0x4000, $0x38;
	[tilespmem:$0x1C000] =	vst v63  }
0xb2: {  	s5 =	sand.u32 $0x2000, s29;
	s6 =	sand.u32 $0x1C00, s28;
	_ =	swait.ge [sflag:s21], $0x4000  }
0xb3: {  	s7 =	sand.u32 $0x380, s28;
	s0 =	sor.u32 s5, s6;
	[sflag:s21] =	ssyncset.done $0x0  }
0xb4: {  	s4 =	sor.u32 s7, s0;
	[sflag:s21] =	ssyncadd.s32 $0xFFFFC000  }
0xb5: {  	v0 =	vld [tilespmem:s4+$0x70]  }
0xb6: {  	v4 =	vld [tilespmem:s4+$0x0]  }
0xb7: {  	v5 =	vld [tilespmem:s4+$0x10]  }
0xb8: {  	v6 =	vld [tilespmem:s4+$0x20]  }
0xb9: {  	v2 =	vld [tilespmem:s4+$0x30]  }
0xba: {  	v3 =	vld [tilespmem:s4+$0x40]  }
0xbb: {  	s0 =	sor.u32 $0x14070, s4;
	v1 =	vld [tilespmem:s4+$0x60]  }
0xbc: {  	[tilespmem:s0+$0x0] =	vst.add.f32.msk $0xffff, v0  }
0xbd: {  	s8 =	sor.u32 $0x14000, s4;
	v0 =	vld [tilespmem:s4+$0x50]  }
0xbe: {  	s5 =	sor.u32 $0x14010, s4;
	[tilespmem:s8+$0x0] =	vst.add.f32.msk $0xffff, v4  }
0xbf: {  	s30 =	simm.s32 $0x0;
	s6 =	sor.u32 $0x14020, s4;
	s3 =	sor.u32 $0x14030, s4;
	[tilespmem:s5+$0x0] =	vst.add.f32.msk $0xffff, v5  }
0xc0: {  	s2 =	sor.u32 $0x14040, s4;
	s31 =	sor.u32 $0x14060, s4;
	s0 =	sor.u32 $0x14050, s4;
	[tilespmem:s6+$0x0] =	vst.add.f32.msk $0xffff, v6  }
.LBB2_8:
0xc1: {  	s29 =	sadd.s32 $0x80, s29;
	[tilespmem:s3+$0x0] =	vst.add.f32.msk $0xffff, v2;
	s28 =	sadd.s32 $0x400, s28  }
0xc2: {  	s30 =	sadd.s32 $0x10, s30;
	s3 =	sand.u32 $0x2000, s29;
	s4 =	sand.u32 $0x1C00, s28;
	[tilespmem:s2+$0x0] =	vst.add.f32.msk $0xffff, v3  }
0xc3: {  	p0 =	slt.u32 s29, $0x3F80;
	s2 =	sor.u32 s3, s4;
	s3 =	sand.u32 $0x380, s30;
	[tilespmem:s0+$0x0] =	vst.add.f32.msk $0xffff, v0  }
0xc4: {  	s4 =	sor.u32 s3, s2;
	[tilespmem:s31+$0x0] =	vst.add.f32.msk $0xffff, v1  }
0xc5: {  	s5 =	sor.u32 $0x14000, s4;
	s6 =	sor.u32 $0x14010, s4;
	s7 =	sor.u32 $0x14020, s4;
	v0 =	vld [tilespmem:s4+$0x70]  }
0xc6: {  	s3 =	sor.u32 $0x14030, s4;
	s2 =	sor.u32 $0x14040, s4;
	s0 =	sor.u32 $0x14050, s4;
	v4 =	vld [tilespmem:s4+$0x0]  }
0xc7: {  	s31 =	sor.u32 $0x14060, s4;
	v5 =	vld [tilespmem:s4+$0x10]  }
0xc8: {  	v6 =	vld [tilespmem:s4+$0x20]  }
0xc9: {  	s8 =	sor.u32 $0x14070, s4;
	v2 =	vld [tilespmem:s4+$0x30]  }
0xca: {  	[tilespmem:s8+$0x0] =	vst.add.f32.msk $0xffff, v0  }
0xcb: {  	v3 =	vld [tilespmem:s4+$0x40]  }
.Ltmp3:
0xcc: {  	v0 =	vld [tilespmem:s4+$0x50];
	(pc) =	sbr.rel @p0 .LBB2_8-.Ltmp3, $4  }
0xcd: {  	v1 =	vld [tilespmem:s4+$0x60]  }
0xce: {  	[tilespmem:s5+$0x0] =	vst.add.f32.msk $0xffff, v4  }
0xcf: {  	[tilespmem:s6+$0x0] =	vst.add.f32.msk $0xffff, v5  }
0xd0: {  	[tilespmem:s7+$0x0] =	vst.add.f32.msk $0xffff, v6  }
0xd1: {  	[tilespmem:s3+$0x0] =	vst.add.f32.msk $0xffff, v2  }
0xd2: {  	[tilespmem:s2+$0x0] =	vst.add.f32.msk $0xffff, v3  }
0xd3: {  	[tilespmem:s0+$0x0] =	vst.add.f32.msk $0xffff, v0  }
0xd4: {  	[tilespmem:s31+$0x0] =	vst.add.f32.msk $0xffff, v1  }
0xd5: {  	s28 =	simm.s32 $0x0;
	s0 =	rddreg [dreg:$0xe]  }
0xd6: {  	[hbm4b:s0+s28] =	stream.linear.scatter [tilespmem:s12], [sflag:$0xB], $0x4000, $0x38;
	[tilespmem:$0x1C000] =	vst v63  }
0xd7: {  	_ =	swait.ge [sflag:s22], $0x4000  }
0xd8: {  	[sflag:s22] =	ssyncset.done $0x0  }
0xd9: {  	s3 =	rddreg [dreg:$0xf];
	[sflag:s22] =	ssyncadd.s32 $0xFFFFC000  }
0xda: {  	[tilespmem:s11], [sflag:$0x5] =	stream.linear.gather [hbm4b:s3+s28], $0x4000, $0x38;
	[tilespmem:$0x1C000] =	vst v63  }
0xdb: {  	_ =	swait.ge [sflag:s23], $0x4000  }
0xdc: {  	[sflag:s23] =	ssyncset.done $0x0  }
0xdd: {  	s29 =	simm.s32 $0x0;
	s4 =	rddreg [dreg:$0x10];
	[sflag:s23] =	ssyncadd.s32 $0xFFFFC000  }
0xde: {  	[tilespmem:s28], [sflag:$0x1] =	stream.linear.gather [hbm4b:s4+s28], $0x4000, $0x38;
	[tilespmem:$0x1C000] =	vst v63  }
0xdf: {  	s5 =	sand.u32 $0x2000, s29;
	s6 =	sand.u32 $0x1C00, s28;
	_ =	swait.ge [sflag:s24], $0x4000  }
0xe0: {  	s7 =	sand.u32 $0x380, s28;
	s0 =	sor.u32 s5, s6;
	[sflag:s24] =	ssyncset.done $0x0  }
0xe1: {  	s4 =	sor.u32 s7, s0;
	[sflag:s24] =	ssyncadd.s32 $0xFFFFC000  }
0xe2: {  	v0 =	vld [tilespmem:s4+$0x4070]  }
0xe3: {  	v4 =	vld [tilespmem:s4+$0x4000]  }
0xe4: {  	v5 =	vld [tilespmem:s4+$0x4010]  }
0xe5: {  	v6 =	vld [tilespmem:s4+$0x4020]  }
0xe6: {  	v2 =	vld [tilespmem:s4+$0x4030]  }
0xe7: {  	v3 =	vld [tilespmem:s4+$0x4040]  }
0xe8: {  	s0 =	sor.u32 $0x18070, s4;
	v1 =	vld [tilespmem:s4+$0x4060]  }
0xe9: {  	[tilespmem:s0+$0x0] =	vst.add.f32.msk $0xffff, v0  }
0xea: {  	s8 =	sor.u32 $0x18000, s4;
	v0 =	vld [tilespmem:s4+$0x4050]  }
0xeb: {  	s5 =	sor.u32 $0x18010, s4;
	[tilespmem:s8+$0x0] =	vst.add.f32.msk $0xffff, v4  }
0xec: {  	s30 =	simm.s32 $0x0;
	s6 =	sor.u32 $0x18020, s4;
	s3 =	sor.u32 $0x18030, s4;
	[tilespmem:s5+$0x0] =	vst.add.f32.msk $0xffff, v5  }
0xed: {  	s2 =	sor.u32 $0x18040, s4;
	s31 =	sor.u32 $0x18060, s4;
	s0 =	sor.u32 $0x18050, s4;
	[tilespmem:s6+$0x0] =	vst.add.f32.msk $0xffff, v6  }
.LBB2_10:
0xee: {  	s29 =	sadd.s32 $0x80, s29;
	[tilespmem:s3+$0x0] =	vst.add.f32.msk $0xffff, v2;
	s28 =	sadd.s32 $0x400, s28  }
0xef: {  	s30 =	sadd.s32 $0x10, s30;
	s3 =	sand.u32 $0x2000, s29;
	s4 =	sand.u32 $0x1C00, s28;
	[tilespmem:s2+$0x0] =	vst.add.f32.msk $0xffff, v3  }
0xf0: {  	p0 =	slt.u32 s29, $0x3F80;
	s2 =	sor.u32 s3, s4;
	s3 =	sand.u32 $0x380, s30;
	[tilespmem:s0+$0x0] =	vst.add.f32.msk $0xffff, v0  }
0xf1: {  	s4 =	sor.u32 s3, s2;
	[tilespmem:s31+$0x0] =	vst.add.f32.msk $0xffff, v1  }
0xf2: {  	s5 =	sor.u32 $0x18000, s4;
	s6 =	sor.u32 $0x18010, s4;
	s7 =	sor.u32 $0x18020, s4;
	v0 =	vld [tilespmem:s4+$0x4070]  }
0xf3: {  	s3 =	sor.u32 $0x18030, s4;
	s2 =	sor.u32 $0x18040, s4;
	s0 =	sor.u32 $0x18050, s4;
	v4 =	vld [tilespmem:s4+$0x4000]  }
0xf4: {  	s31 =	sor.u32 $0x18060, s4;
	v5 =	vld [tilespmem:s4+$0x4010]  }
0xf5: {  	v6 =	vld [tilespmem:s4+$0x4020]  }
0xf6: {  	s8 =	sor.u32 $0x18070, s4;
	v2 =	vld [tilespmem:s4+$0x4030]  }
0xf7: {  	[tilespmem:s8+$0x0] =	vst.add.f32.msk $0xffff, v0  }
0xf8: {  	v3 =	vld [tilespmem:s4+$0x4040]  }
.Ltmp4:
0xf9: {  	v0 =	vld [tilespmem:s4+$0x4050];
	(pc) =	sbr.rel @p0 .LBB2_10-.Ltmp4, $4  }
0xfa: {  	v1 =	vld [tilespmem:s4+$0x4060]  }
0xfb: {  	[tilespmem:s5+$0x0] =	vst.add.f32.msk $0xffff, v4  }
0xfc: {  	[tilespmem:s6+$0x0] =	vst.add.f32.msk $0xffff, v5  }
0xfd: {  	[tilespmem:s7+$0x0] =	vst.add.f32.msk $0xffff, v6  }
0xfe: {  	[tilespmem:s3+$0x0] =	vst.add.f32.msk $0xffff, v2  }
0xff: {  	[tilespmem:s2+$0x0] =	vst.add.f32.msk $0xffff, v3  }
0x100: {  	[tilespmem:s0+$0x0] =	vst.add.f32.msk $0xffff, v0  }
0x101: {  	[tilespmem:s31+$0x0] =	vst.add.f32.msk $0xffff, v1  }
0x102: {  	s28 =	simm.s32 $0x0;
	s0 =	rddreg [dreg:$0x11]  }
0x103: {  	[hbm4b:s0+s28] =	stream.linear.scatter [tilespmem:s16], [sflag:$0xC], $0x4000, $0x38;
	[tilespmem:$0x1C000] =	vst v63  }
0x104: {  	_ =	swait.ge [sflag:s25], $0x4000  }
0x105: {  	[sflag:s25] =	ssyncset.done $0x0  }
0x106: {  	s29 =	simm.s32 $0x0;
	s4 =	rddreg [dreg:$0x16];
	[sflag:s25] =	ssyncadd.s32 $0xFFFFC000  }
0x107: {  	[tilespmem:s12], [sflag:$0x6] =	stream.linear.gather [hbm4b:s4+s28], $0x4000, $0x38;
	[tilespmem:$0x1C000] =	vst v63  }
0x108: {  	s5 =	sand.u32 $0x2000, s29;
	s6 =	sand.u32 $0x1C00, s28;
	_ =	swait.ge [sflag:s15], $0x4000  }
0x109: {  	s7 =	sand.u32 $0x380, s28;
	s0 =	sor.u32 s5, s6;
	[sflag:s15] =	ssyncset.done $0x0  }
0x10a: {  	s4 =	sor.u32 s7, s0;
	[sflag:s15] =	ssyncadd.s32 $0xFFFFC000  }
0x10b: {  	v0 =	vld [tilespmem:s4+$0x4070]  }
0x10c: {  	v4 =	vld [tilespmem:s4+$0x4000]  }
0x10d: {  	v5 =	vld [tilespmem:s4+$0x4010]  }
0x10e: {  	v6 =	vld [tilespmem:s4+$0x4020]  }
0x10f: {  	v2 =	vld [tilespmem:s4+$0x4030]  }
0x110: {  	v3 =	vld [tilespmem:s4+$0x4040]  }
0x111: {  	s0 =	sor.u32 $0x8070, s4;
	v1 =	vld [tilespmem:s4+$0x4060]  }
0x112: {  	[tilespmem:s0+$0x0] =	vst.add.f32.msk $0xffff, v0  }
0x113: {  	s8 =	sor.u32 $0x8000, s4;
	v0 =	vld [tilespmem:s4+$0x4050]  }
0x114: {  	s5 =	sor.u32 $0x8010, s4;
	[tilespmem:s8+$0x0] =	vst.add.f32.msk $0xffff, v4  }
0x115: {  	s30 =	simm.s32 $0x0;
	s6 =	sor.u32 $0x8020, s4;
	s3 =	sor.u32 $0x8030, s4;
	[tilespmem:s5+$0x0] =	vst.add.f32.msk $0xffff, v5  }
0x116: {  	s2 =	sor.u32 $0x8040, s4;
	s31 =	sor.u32 $0x8060, s4;
	s0 =	sor.u32 $0x8050, s4;
	[tilespmem:s6+$0x0] =	vst.add.f32.msk $0xffff, v6  }
.LBB2_12:
0x117: {  	s29 =	sadd.s32 $0x80, s29;
	[tilespmem:s3+$0x0] =	vst.add.f32.msk $0xffff, v2;
	s28 =	sadd.s32 $0x400, s28  }
0x118: {  	s30 =	sadd.s32 $0x10, s30;
	s3 =	sand.u32 $0x2000, s29;
	s4 =	sand.u32 $0x1C00, s28;
	[tilespmem:s2+$0x0] =	vst.add.f32.msk $0xffff, v3  }
0x119: {  	p0 =	slt.u32 s29, $0x3F80;
	s2 =	sor.u32 s3, s4;
	s3 =	sand.u32 $0x380, s30;
	[tilespmem:s0+$0x0] =	vst.add.f32.msk $0xffff, v0  }
0x11a: {  	s4 =	sor.u32 s3, s2;
	[tilespmem:s31+$0x0] =	vst.add.f32.msk $0xffff, v1  }
0x11b: {  	s5 =	sor.u32 $0x8000, s4;
	s6 =	sor.u32 $0x8010, s4;
	s7 =	sor.u32 $0x8020, s4;
	v0 =	vld [tilespmem:s4+$0x4070]  }
0x11c: {  	s3 =	sor.u32 $0x8030, s4;
	s2 =	sor.u32 $0x8040, s4;
	s0 =	sor.u32 $0x8050, s4;
	v4 =	vld [tilespmem:s4+$0x4000]  }
0x11d: {  	s31 =	sor.u32 $0x8060, s4;
	v5 =	vld [tilespmem:s4+$0x4010]  }
0x11e: {  	v6 =	vld [tilespmem:s4+$0x4020]  }
0x11f: {  	s8 =	sor.u32 $0x8070, s4;
	v2 =	vld [tilespmem:s4+$0x4030]  }
0x120: {  	[tilespmem:s8+$0x0] =	vst.add.f32.msk $0xffff, v0  }
0x121: {  	v3 =	vld [tilespmem:s4+$0x4040]  }
.Ltmp5:
0x122: {  	v0 =	vld [tilespmem:s4+$0x4050];
	(pc) =	sbr.rel @p0 .LBB2_12-.Ltmp5, $4  }
0x123: {  	v1 =	vld [tilespmem:s4+$0x4060]  }
0x124: {  	[tilespmem:s5+$0x0] =	vst.add.f32.msk $0xffff, v4  }
0x125: {  	[tilespmem:s6+$0x0] =	vst.add.f32.msk $0xffff, v5  }
0x126: {  	[tilespmem:s7+$0x0] =	vst.add.f32.msk $0xffff, v6  }
0x127: {  	[tilespmem:s3+$0x0] =	vst.add.f32.msk $0xffff, v2  }
0x128: {  	[tilespmem:s2+$0x0] =	vst.add.f32.msk $0xffff, v3  }
0x129: {  	[tilespmem:s0+$0x0] =	vst.add.f32.msk $0xffff, v0  }
0x12a: {  	[tilespmem:s31+$0x0] =	vst.add.f32.msk $0xffff, v1  }
0x12b: {  	s28 =	simm.s32 $0x0;
	s0 =	rddreg [dreg:$0x12]  }
0x12c: {  	[hbm4b:s0+s28] =	stream.linear.scatter [tilespmem:s9], [sflag:$0x8], $0x4000, $0x38;
	[tilespmem:$0x1C000] =	vst v63  }
0x12d: {  	_ =	swait.ge [sflag:s14], $0x4000  }
0x12e: {  	[sflag:s14] =	ssyncset.done $0x0  }
0x12f: {  	s29 =	simm.s32 $0x0;
	s4 =	rddreg [dreg:$0x18];
	[sflag:s14] =	ssyncadd.s32 $0xFFFFC000  }
0x130: {  	[tilespmem:s16], [sflag:$0x7] =	stream.linear.gather [hbm4b:s4+s28], $0x4000, $0x38;
	[tilespmem:$0x1C000] =	vst v63  }
0x131: {  	s5 =	sand.u32 $0x2000, s29;
	s6 =	sand.u32 $0x1C00, s28;
	_ =	swait.ge [sflag:s17], $0x4000  }
0x132: {  	s7 =	sand.u32 $0x380, s28;
	s0 =	sor.u32 s5, s6;
	[sflag:s17] =	ssyncset.done $0x0  }
0x133: {  	s4 =	sor.u32 s7, s0;
	[sflag:s17] =	ssyncadd.s32 $0xFFFFC000  }
0x134: {  	v0 =	vld [tilespmem:s4+$0x4070]  }
0x135: {  	v4 =	vld [tilespmem:s4+$0x4000]  }
0x136: {  	v5 =	vld [tilespmem:s4+$0x4010]  }
0x137: {  	v6 =	vld [tilespmem:s4+$0x4020]  }
0x138: {  	v2 =	vld [tilespmem:s4+$0x4030]  }
0x139: {  	v3 =	vld [tilespmem:s4+$0x4040]  }
0x13a: {  	s0 =	sor.u32 $0xC070, s4;
	v1 =	vld [tilespmem:s4+$0x4060]  }
0x13b: {  	[tilespmem:s0+$0x0] =	vst.add.f32.msk $0xffff, v0  }
0x13c: {  	s8 =	sor.u32 $0xC000, s4;
	v0 =	vld [tilespmem:s4+$0x4050]  }
0x13d: {  	s5 =	sor.u32 $0xC010, s4;
	[tilespmem:s8+$0x0] =	vst.add.f32.msk $0xffff, v4  }
0x13e: {  	s30 =	simm.s32 $0x0;
	s6 =	sor.u32 $0xC020, s4;
	s3 =	sor.u32 $0xC030, s4;
	[tilespmem:s5+$0x0] =	vst.add.f32.msk $0xffff, v5  }
0x13f: {  	s2 =	sor.u32 $0xC040, s4;
	s31 =	sor.u32 $0xC060, s4;
	s0 =	sor.u32 $0xC050, s4;
	[tilespmem:s6+$0x0] =	vst.add.f32.msk $0xffff, v6  }
.LBB2_14:
0x140: {  	s29 =	sadd.s32 $0x80, s29;
	[tilespmem:s3+$0x0] =	vst.add.f32.msk $0xffff, v2;
	s28 =	sadd.s32 $0x400, s28  }
0x141: {  	s30 =	sadd.s32 $0x10, s30;
	s3 =	sand.u32 $0x2000, s29;
	s4 =	sand.u32 $0x1C00, s28;
	[tilespmem:s2+$0x0] =	vst.add.f32.msk $0xffff, v3  }
0x142: {  	p0 =	slt.u32 s29, $0x3F80;
	s2 =	sor.u32 s3, s4;
	s3 =	sand.u32 $0x380, s30;
	[tilespmem:s0+$0x0] =	vst.add.f32.msk $0xffff, v0  }
0x143: {  	s4 =	sor.u32 s3, s2;
	[tilespmem:s31+$0x0] =	vst.add.f32.msk $0xffff, v1  }
0x144: {  	s5 =	sor.u32 $0xC000, s4;
	s6 =	sor.u32 $0xC010, s4;
	s7 =	sor.u32 $0xC020, s4;
	v0 =	vld [tilespmem:s4+$0x4070]  }
0x145: {  	s3 =	sor.u32 $0xC030, s4;
	s2 =	sor.u32 $0xC040, s4;
	s0 =	sor.u32 $0xC050, s4;
	v4 =	vld [tilespmem:s4+$0x4000]  }
0x146: {  	s31 =	sor.u32 $0xC060, s4;
	v5 =	vld [tilespmem:s4+$0x4010]  }
0x147: {  	v6 =	vld [tilespmem:s4+$0x4020]  }
0x148: {  	s8 =	sor.u32 $0xC070, s4;
	v2 =	vld [tilespmem:s4+$0x4030]  }
0x149: {  	[tilespmem:s8+$0x0] =	vst.add.f32.msk $0xffff, v0  }
0x14a: {  	v3 =	vld [tilespmem:s4+$0x4040]  }
.Ltmp6:
0x14b: {  	v0 =	vld [tilespmem:s4+$0x4050];
	(pc) =	sbr.rel @p0 .LBB2_14-.Ltmp6, $4  }
0x14c: {  	v1 =	vld [tilespmem:s4+$0x4060]  }
0x14d: {  	[tilespmem:s5+$0x0] =	vst.add.f32.msk $0xffff, v4  }
0x14e: {  	[tilespmem:s6+$0x0] =	vst.add.f32.msk $0xffff, v5  }
0x14f: {  	[tilespmem:s7+$0x0] =	vst.add.f32.msk $0xffff, v6  }
0x150: {  	[tilespmem:s3+$0x0] =	vst.add.f32.msk $0xffff, v2  }
0x151: {  	[tilespmem:s2+$0x0] =	vst.add.f32.msk $0xffff, v3  }
0x152: {  	[tilespmem:s0+$0x0] =	vst.add.f32.msk $0xffff, v0  }
0x153: {  	[tilespmem:s31+$0x0] =	vst.add.f32.msk $0xffff, v1  }
0x154: {  	s28 =	simm.s32 $0x0;
	s0 =	rddreg [dreg:$0x13]  }
0x155: {  	[hbm4b:s0+s28] =	stream.linear.scatter [tilespmem:s10], [sflag:$0x9], $0x4000, $0x38;
	[tilespmem:$0x1C000] =	vst v63  }
0x156: {  	_ =	swait.ge [sflag:s18], $0x4000  }
0x157: {  	[sflag:s18] =	ssyncset.done $0x0  }
0x158: {  	s29 =	simm.s32 $0x0;
	s4 =	rddreg [dreg:$0x1a];
	[sflag:s18] =	ssyncadd.s32 $0xFFFFC000  }
0x159: {  	[tilespmem:s9], [sflag:$0x3] =	stream.linear.gather [hbm4b:s4+s28], $0x4000, $0x38;
	[tilespmem:$0x1C000] =	vst v63  }
0x15a: {  	s5 =	sand.u32 $0x2000, s29;
	s6 =	sand.u32 $0x1C00, s28;
	_ =	swait.ge [sflag:s19], $0x4000  }
0x15b: {  	s7 =	sand.u32 $0x380, s28;
	s0 =	sor.u32 s5, s6;
	[sflag:s19] =	ssyncset.done $0x0  }
0x15c: {  	s4 =	sor.u32 s7, s0;
	[sflag:s19] =	ssyncadd.s32 $0xFFFFC000  }
0x15d: {  	v0 =	vld [tilespmem:s4+$0x4070]  }
0x15e: {  	v4 =	vld [tilespmem:s4+$0x4000]  }
0x15f: {  	v5 =	vld [tilespmem:s4+$0x4010]  }
0x160: {  	v6 =	vld [tilespmem:s4+$0x4020]  }
0x161: {  	v2 =	vld [tilespmem:s4+$0x4030]  }
0x162: {  	v3 =	vld [tilespmem:s4+$0x4040]  }
0x163: {  	s0 =	sor.u32 $0x10070, s4;
	v1 =	vld [tilespmem:s4+$0x4060]  }
0x164: {  	[tilespmem:s0+$0x0] =	vst.add.f32.msk $0xffff, v0  }
0x165: {  	s8 =	sor.u32 $0x10000, s4;
	v0 =	vld [tilespmem:s4+$0x4050]  }
0x166: {  	s5 =	sor.u32 $0x10010, s4;
	[tilespmem:s8+$0x0] =	vst.add.f32.msk $0xffff, v4  }
0x167: {  	s30 =	simm.s32 $0x0;
	s6 =	sor.u32 $0x10020, s4;
	s3 =	sor.u32 $0x10030, s4;
	[tilespmem:s5+$0x0] =	vst.add.f32.msk $0xffff, v5  }
0x168: {  	s2 =	sor.u32 $0x10040, s4;
	s31 =	sor.u32 $0x10060, s4;
	s0 =	sor.u32 $0x10050, s4;
	[tilespmem:s6+$0x0] =	vst.add.f32.msk $0xffff, v6  }
.LBB2_16:
0x169: {  	s29 =	sadd.s32 $0x80, s29;
	[tilespmem:s3+$0x0] =	vst.add.f32.msk $0xffff, v2;
	s28 =	sadd.s32 $0x400, s28  }
0x16a: {  	s30 =	sadd.s32 $0x10, s30;
	s3 =	sand.u32 $0x2000, s29;
	s4 =	sand.u32 $0x1C00, s28;
	[tilespmem:s2+$0x0] =	vst.add.f32.msk $0xffff, v3  }
0x16b: {  	p0 =	slt.u32 s29, $0x3F80;
	s2 =	sor.u32 s3, s4;
	s3 =	sand.u32 $0x380, s30;
	[tilespmem:s0+$0x0] =	vst.add.f32.msk $0xffff, v0  }
0x16c: {  	s4 =	sor.u32 s3, s2;
	[tilespmem:s31+$0x0] =	vst.add.f32.msk $0xffff, v1  }
0x16d: {  	s5 =	sor.u32 $0x10000, s4;
	s6 =	sor.u32 $0x10010, s4;
	s7 =	sor.u32 $0x10020, s4;
	v0 =	vld [tilespmem:s4+$0x4070]  }
0x16e: {  	s3 =	sor.u32 $0x10030, s4;
	s2 =	sor.u32 $0x10040, s4;
	s0 =	sor.u32 $0x10050, s4;
	v4 =	vld [tilespmem:s4+$0x4000]  }
0x16f: {  	s31 =	sor.u32 $0x10060, s4;
	v5 =	vld [tilespmem:s4+$0x4010]  }
0x170: {  	v6 =	vld [tilespmem:s4+$0x4020]  }
0x171: {  	s8 =	sor.u32 $0x10070, s4;
	v2 =	vld [tilespmem:s4+$0x4030]  }
0x172: {  	[tilespmem:s8+$0x0] =	vst.add.f32.msk $0xffff, v0  }
0x173: {  	v3 =	vld [tilespmem:s4+$0x4040]  }
.Ltmp7:
0x174: {  	v0 =	vld [tilespmem:s4+$0x4050];
	(pc) =	sbr.rel @p0 .LBB2_16-.Ltmp7, $4  }
0x175: {  	v1 =	vld [tilespmem:s4+$0x4060]  }
0x176: {  	[tilespmem:s5+$0x0] =	vst.add.f32.msk $0xffff, v4  }
0x177: {  	[tilespmem:s6+$0x0] =	vst.add.f32.msk $0xffff, v5  }
0x178: {  	[tilespmem:s7+$0x0] =	vst.add.f32.msk $0xffff, v6  }
0x179: {  	[tilespmem:s3+$0x0] =	vst.add.f32.msk $0xffff, v2  }
0x17a: {  	[tilespmem:s2+$0x0] =	vst.add.f32.msk $0xffff, v3  }
0x17b: {  	[tilespmem:s0+$0x0] =	vst.add.f32.msk $0xffff, v0  }
0x17c: {  	[tilespmem:s31+$0x0] =	vst.add.f32.msk $0xffff, v1  }
0x17d: {  	s28 =	simm.s32 $0x0;
	s0 =	rddreg [dreg:$0x14]  }
0x17e: {  	[hbm4b:s0+s28] =	stream.linear.scatter [tilespmem:s11], [sflag:$0xA], $0x4000, $0x38;
	[tilespmem:$0x1C000] =	vst v63  }
0x17f: {  	_ =	swait.ge [sflag:s20], $0x4000  }
0x180: {  	[sflag:s20] =	ssyncset.done $0x0  }
0x181: {  	s2 =	rddreg [dreg:$0x1c];
	[sflag:s20] =	ssyncadd.s32 $0xFFFFC000  }
0x182: {  	[tilespmem:s10], [sflag:$0x4] =	stream.linear.gather [hbm4b:s2+s28], $0x4000, $0x38;
	[tilespmem:$0x1C000] =	vst v63  }
0x183: {  	_ =	swait.ge [sflag:s13], $0x4000  }
0x184: {  	s4 =	simm.s32 $0x4000;
	[sflag:s13] =	ssyncset.done $0x0  }
0x185: {  	s29 =	simm.s32 $0x0;
	s3 =	rddreg [dreg:$0x15];
	[sflag:s13] =	ssyncadd.s32 $0xFFFFC000  }
0x186: {  	[tilespmem:s4], [sflag:$0x2] =	stream.linear.gather [hbm4b:s3+s28], $0x4000, $0x38;
	[tilespmem:$0x1C000] =	vst v63  }
0x187: {  	s5 =	sand.u32 $0x2000, s29;
	s6 =	sand.u32 $0x1C00, s28;
	_ =	swait.ge [sflag:s21], $0x4000  }
0x188: {  	s7 =	sand.u32 $0x380, s28;
	s0 =	sor.u32 s5, s6;
	[sflag:s21] =	ssyncset.done $0x0  }
0x189: {  	s4 =	sor.u32 s7, s0;
	[sflag:s21] =	ssyncadd.s32 $0xFFFFC000  }
0x18a: {  	v0 =	vld [tilespmem:s4+$0x70]  }
0x18b: {  	v4 =	vld [tilespmem:s4+$0x0]  }
0x18c: {  	v5 =	vld [tilespmem:s4+$0x10]  }
0x18d: {  	v6 =	vld [tilespmem:s4+$0x20]  }
0x18e: {  	v2 =	vld [tilespmem:s4+$0x30]  }
0x18f: {  	v3 =	vld [tilespmem:s4+$0x40]  }
0x190: {  	s0 =	sor.u32 $0x14070, s4;
	v1 =	vld [tilespmem:s4+$0x60]  }
0x191: {  	[tilespmem:s0+$0x0] =	vst.add.f32.msk $0xffff, v0  }
0x192: {  	s8 =	sor.u32 $0x14000, s4;
	v0 =	vld [tilespmem:s4+$0x50]  }
0x193: {  	s5 =	sor.u32 $0x14010, s4;
	[tilespmem:s8+$0x0] =	vst.add.f32.msk $0xffff, v4  }
0x194: {  	s30 =	simm.s32 $0x0;
	s6 =	sor.u32 $0x14020, s4;
	s3 =	sor.u32 $0x14030, s4;
	[tilespmem:s5+$0x0] =	vst.add.f32.msk $0xffff, v5  }
0x195: {  	s2 =	sor.u32 $0x14040, s4;
	s31 =	sor.u32 $0x14060, s4;
	s0 =	sor.u32 $0x14050, s4;
	[tilespmem:s6+$0x0] =	vst.add.f32.msk $0xffff, v6  }
.LBB2_18:
0x196: {  	s29 =	sadd.s32 $0x80, s29;
	[tilespmem:s3+$0x0] =	vst.add.f32.msk $0xffff, v2;
	s28 =	sadd.s32 $0x400, s28  }
0x197: {  	s30 =	sadd.s32 $0x10, s30;
	s3 =	sand.u32 $0x2000, s29;
	s4 =	sand.u32 $0x1C00, s28;
	[tilespmem:s2+$0x0] =	vst.add.f32.msk $0xffff, v3  }
0x198: {  	p0 =	slt.u32 s29, $0x3F80;
	s2 =	sor.u32 s3, s4;
	s3 =	sand.u32 $0x380, s30;
	[tilespmem:s0+$0x0] =	vst.add.f32.msk $0xffff, v0  }
0x199: {  	s4 =	sor.u32 s3, s2;
	[tilespmem:s31+$0x0] =	vst.add.f32.msk $0xffff, v1  }
0x19a: {  	s5 =	sor.u32 $0x14000, s4;
	s6 =	sor.u32 $0x14010, s4;
	s7 =	sor.u32 $0x14020, s4;
	v0 =	vld [tilespmem:s4+$0x70]  }
0x19b: {  	s3 =	sor.u32 $0x14030, s4;
	s2 =	sor.u32 $0x14040, s4;
	s0 =	sor.u32 $0x14050, s4;
	v4 =	vld [tilespmem:s4+$0x0]  }
0x19c: {  	s31 =	sor.u32 $0x14060, s4;
	v5 =	vld [tilespmem:s4+$0x10]  }
0x19d: {  	v6 =	vld [tilespmem:s4+$0x20]  }
0x19e: {  	s8 =	sor.u32 $0x14070, s4;
	v2 =	vld [tilespmem:s4+$0x30]  }
0x19f: {  	[tilespmem:s8+$0x0] =	vst.add.f32.msk $0xffff, v0  }
0x1a0: {  	v3 =	vld [tilespmem:s4+$0x40]  }
.Ltmp8:
0x1a1: {  	v0 =	vld [tilespmem:s4+$0x50];
	(pc) =	sbr.rel @p0 .LBB2_18-.Ltmp8, $4  }
0x1a2: {  	v1 =	vld [tilespmem:s4+$0x60]  }
0x1a3: {  	[tilespmem:s5+$0x0] =	vst.add.f32.msk $0xffff, v4  }
0x1a4: {  	[tilespmem:s6+$0x0] =	vst.add.f32.msk $0xffff, v5  }
0x1a5: {  	[tilespmem:s7+$0x0] =	vst.add.f32.msk $0xffff, v6  }
0x1a6: {  	[tilespmem:s3+$0x0] =	vst.add.f32.msk $0xffff, v2  }
0x1a7: {  	[tilespmem:s2+$0x0] =	vst.add.f32.msk $0xffff, v3  }
0x1a8: {  	[tilespmem:s0+$0x0] =	vst.add.f32.msk $0xffff, v0  }
0x1a9: {  	[tilespmem:s31+$0x0] =	vst.add.f32.msk $0xffff, v1  }
0x1aa: {  	s28 =	simm.s32 $0x0;
	s0 =	rddreg [dreg:$0x17]  }
0x1ab: {  	[hbm4b:s0+s28] =	stream.linear.scatter [tilespmem:s12], [sflag:$0xB], $0x4000, $0x38;
	[tilespmem:$0x1C000] =	vst v63  }
0x1ac: {  	_ =	swait.ge [sflag:s22], $0x4000  }
0x1ad: {  	s4 =	sld [smem:$0x7F5]  }
0x1ae: {  	[sflag:s22] =	ssyncset.done $0x0  }
0x1af: {  	s29 =	simm.s32 $0x0;
	[sflag:s22] =	ssyncadd.s32 $0xFFFFC000  }
0x1b0: {  	[tilespmem:s11], [sflag:$0x5] =	stream.linear.gather [hbm4b:s4+s28], $0x4000, $0x38;
	[tilespmem:$0x1C000] =	vst v63  }
0x1b1: {  	s5 =	sand.u32 $0x2000, s29;
	s6 =	sand.u32 $0x1C00, s28;
	_ =	swait.ge [sflag:s24], $0x4000  }
0x1b2: {  	s7 =	sand.u32 $0x380, s28;
	s0 =	sor.u32 s5, s6;
	[sflag:s24] =	ssyncset.done $0x0  }
0x1b3: {  	s4 =	sor.u32 s7, s0;
	[sflag:s24] =	ssyncadd.s32 $0xFFFFC000  }
0x1b4: {  	v0 =	vld [tilespmem:s4+$0x70]  }
0x1b5: {  	v4 =	vld [tilespmem:s4+$0x0]  }
0x1b6: {  	v5 =	vld [tilespmem:s4+$0x10]  }
0x1b7: {  	v6 =	vld [tilespmem:s4+$0x20]  }
0x1b8: {  	v2 =	vld [tilespmem:s4+$0x30]  }
0x1b9: {  	v3 =	vld [tilespmem:s4+$0x40]  }
0x1ba: {  	s0 =	sor.u32 $0x18070, s4;
	v1 =	vld [tilespmem:s4+$0x60]  }
0x1bb: {  	[tilespmem:s0+$0x0] =	vst.add.f32.msk $0xffff, v0  }
0x1bc: {  	s8 =	sor.u32 $0x18000, s4;
	v0 =	vld [tilespmem:s4+$0x50]  }
0x1bd: {  	s5 =	sor.u32 $0x18010, s4;
	[tilespmem:s8+$0x0] =	vst.add.f32.msk $0xffff, v4  }
0x1be: {  	s30 =	simm.s32 $0x0;
	s6 =	sor.u32 $0x18020, s4;
	s3 =	sor.u32 $0x18030, s4;
	[tilespmem:s5+$0x0] =	vst.add.f32.msk $0xffff, v5  }
0x1bf: {  	s2 =	sor.u32 $0x18040, s4;
	s31 =	sor.u32 $0x18060, s4;
	s0 =	sor.u32 $0x18050, s4;
	[tilespmem:s6+$0x0] =	vst.add.f32.msk $0xffff, v6  }
.LBB2_20:
0x1c0: {  	s29 =	sadd.s32 $0x80, s29;
	[tilespmem:s3+$0x0] =	vst.add.f32.msk $0xffff, v2;
	s28 =	sadd.s32 $0x400, s28  }
0x1c1: {  	s30 =	sadd.s32 $0x10, s30;
	s3 =	sand.u32 $0x2000, s29;
	s4 =	sand.u32 $0x1C00, s28;
	[tilespmem:s2+$0x0] =	vst.add.f32.msk $0xffff, v3  }
0x1c2: {  	p0 =	slt.u32 s29, $0x3F80;
	s2 =	sor.u32 s3, s4;
	s3 =	sand.u32 $0x380, s30;
	[tilespmem:s0+$0x0] =	vst.add.f32.msk $0xffff, v0  }
0x1c3: {  	s4 =	sor.u32 s3, s2;
	[tilespmem:s31+$0x0] =	vst.add.f32.msk $0xffff, v1  }
0x1c4: {  	s5 =	sor.u32 $0x18000, s4;
	s6 =	sor.u32 $0x18010, s4;
	s7 =	sor.u32 $0x18020, s4;
	v0 =	vld [tilespmem:s4+$0x70]  }
0x1c5: {  	s3 =	sor.u32 $0x18030, s4;
	s2 =	sor.u32 $0x18040, s4;
	s0 =	sor.u32 $0x18050, s4;
	v4 =	vld [tilespmem:s4+$0x0]  }
0x1c6: {  	s31 =	sor.u32 $0x18060, s4;
	v5 =	vld [tilespmem:s4+$0x10]  }
0x1c7: {  	v6 =	vld [tilespmem:s4+$0x20]  }
0x1c8: {  	s8 =	sor.u32 $0x18070, s4;
	v2 =	vld [tilespmem:s4+$0x30]  }
0x1c9: {  	[tilespmem:s8+$0x0] =	vst.add.f32.msk $0xffff, v0  }
0x1ca: {  	v3 =	vld [tilespmem:s4+$0x40]  }
.Ltmp9:
0x1cb: {  	v0 =	vld [tilespmem:s4+$0x50];
	(pc) =	sbr.rel @p0 .LBB2_20-.Ltmp9, $4  }
0x1cc: {  	v1 =	vld [tilespmem:s4+$0x60]  }
0x1cd: {  	[tilespmem:s5+$0x0] =	vst.add.f32.msk $0xffff, v4  }
0x1ce: {  	[tilespmem:s6+$0x0] =	vst.add.f32.msk $0xffff, v5  }
0x1cf: {  	[tilespmem:s7+$0x0] =	vst.add.f32.msk $0xffff, v6  }
0x1d0: {  	[tilespmem:s3+$0x0] =	vst.add.f32.msk $0xffff, v2  }
0x1d1: {  	[tilespmem:s2+$0x0] =	vst.add.f32.msk $0xffff, v3  }
0x1d2: {  	[tilespmem:s0+$0x0] =	vst.add.f32.msk $0xffff, v0  }
0x1d3: {  	[tilespmem:s31+$0x0] =	vst.add.f32.msk $0xffff, v1  }
0x1d4: {  	s28 =	simm.s32 $0x0;
	s0 =	rddreg [dreg:$0x19]  }
0x1d5: {  	[hbm4b:s0+s28] =	stream.linear.scatter [tilespmem:s16], [sflag:$0xC], $0x4000, $0x38;
	[tilespmem:$0x1C000] =	vst v63  }
0x1d6: {  	_ =	swait.ge [sflag:s25], $0x4000  }
0x1d7: {  	s4 =	sld [smem:$0x7F6]  }
0x1d8: {  	[sflag:s25] =	ssyncset.done $0x0  }
0x1d9: {  	s29 =	simm.s32 $0x0;
	[sflag:s25] =	ssyncadd.s32 $0xFFFFC000  }
0x1da: {  	[tilespmem:s12], [sflag:$0x6] =	stream.linear.gather [hbm4b:s4+s28], $0x4000, $0x38;
	[tilespmem:$0x1C000] =	vst v63  }
0x1db: {  	s5 =	sand.u32 $0x2000, s29;
	s6 =	sand.u32 $0x1C00, s28;
	_ =	swait.ge [sflag:s15], $0x4000  }
0x1dc: {  	s7 =	sand.u32 $0x380, s28;
	s0 =	sor.u32 s5, s6;
	[sflag:s15] =	ssyncset.done $0x0  }
0x1dd: {  	s4 =	sor.u32 s7, s0;
	[sflag:s15] =	ssyncadd.s32 $0xFFFFC000  }
0x1de: {  	v0 =	vld [tilespmem:s4+$0x70]  }
0x1df: {  	v4 =	vld [tilespmem:s4+$0x0]  }
0x1e0: {  	v5 =	vld [tilespmem:s4+$0x10]  }
0x1e1: {  	v6 =	vld [tilespmem:s4+$0x20]  }
0x1e2: {  	v2 =	vld [tilespmem:s4+$0x30]  }
0x1e3: {  	v3 =	vld [tilespmem:s4+$0x40]  }
0x1e4: {  	s0 =	sor.u32 $0x8070, s4;
	v1 =	vld [tilespmem:s4+$0x60]  }
0x1e5: {  	[tilespmem:s0+$0x0] =	vst.add.f32.msk $0xffff, v0  }
0x1e6: {  	s8 =	sor.u32 $0x8000, s4;
	v0 =	vld [tilespmem:s4+$0x50]  }
0x1e7: {  	s5 =	sor.u32 $0x8010, s4;
	[tilespmem:s8+$0x0] =	vst.add.f32.msk $0xffff, v4  }
0x1e8: {  	s30 =	simm.s32 $0x0;
	s6 =	sor.u32 $0x8020, s4;
	s3 =	sor.u32 $0x8030, s4;
	[tilespmem:s5+$0x0] =	vst.add.f32.msk $0xffff, v5  }
0x1e9: {  	s2 =	sor.u32 $0x8040, s4;
	s31 =	sor.u32 $0x8060, s4;
	s0 =	sor.u32 $0x8050, s4;
	[tilespmem:s6+$0x0] =	vst.add.f32.msk $0xffff, v6  }
.LBB2_22:
0x1ea: {  	s29 =	sadd.s32 $0x80, s29;
	[tilespmem:s3+$0x0] =	vst.add.f32.msk $0xffff, v2;
	s28 =	sadd.s32 $0x400, s28  }
0x1eb: {  	s30 =	sadd.s32 $0x10, s30;
	s3 =	sand.u32 $0x2000, s29;
	s4 =	sand.u32 $0x1C00, s28;
	[tilespmem:s2+$0x0] =	vst.add.f32.msk $0xffff, v3  }
0x1ec: {  	p0 =	slt.u32 s29, $0x3F80;
	s2 =	sor.u32 s3, s4;
	s3 =	sand.u32 $0x380, s30;
	[tilespmem:s0+$0x0] =	vst.add.f32.msk $0xffff, v0  }
0x1ed: {  	s4 =	sor.u32 s3, s2;
	[tilespmem:s31+$0x0] =	vst.add.f32.msk $0xffff, v1  }
0x1ee: {  	s5 =	sor.u32 $0x8000, s4;
	s6 =	sor.u32 $0x8010, s4;
	s7 =	sor.u32 $0x8020, s4;
	v0 =	vld [tilespmem:s4+$0x70]  }
0x1ef: {  	s3 =	sor.u32 $0x8030, s4;
	s2 =	sor.u32 $0x8040, s4;
	s0 =	sor.u32 $0x8050, s4;
	v4 =	vld [tilespmem:s4+$0x0]  }
0x1f0: {  	s31 =	sor.u32 $0x8060, s4;
	v5 =	vld [tilespmem:s4+$0x10]  }
0x1f1: {  	v6 =	vld [tilespmem:s4+$0x20]  }
0x1f2: {  	s8 =	sor.u32 $0x8070, s4;
	v2 =	vld [tilespmem:s4+$0x30]  }
0x1f3: {  	[tilespmem:s8+$0x0] =	vst.add.f32.msk $0xffff, v0  }
0x1f4: {  	v3 =	vld [tilespmem:s4+$0x40]  }
.Ltmp10:
0x1f5: {  	v0 =	vld [tilespmem:s4+$0x50];
	(pc) =	sbr.rel @p0 .LBB2_22-.Ltmp10, $4  }
0x1f6: {  	v1 =	vld [tilespmem:s4+$0x60]  }
0x1f7: {  	[tilespmem:s5+$0x0] =	vst.add.f32.msk $0xffff, v4  }
0x1f8: {  	[tilespmem:s6+$0x0] =	vst.add.f32.msk $0xffff, v5  }
0x1f9: {  	[tilespmem:s7+$0x0] =	vst.add.f32.msk $0xffff, v6  }
0x1fa: {  	[tilespmem:s3+$0x0] =	vst.add.f32.msk $0xffff, v2  }
0x1fb: {  	[tilespmem:s2+$0x0] =	vst.add.f32.msk $0xffff, v3  }
0x1fc: {  	[tilespmem:s0+$0x0] =	vst.add.f32.msk $0xffff, v0  }
0x1fd: {  	[tilespmem:s31+$0x0] =	vst.add.f32.msk $0xffff, v1  }
0x1fe: {  	s28 =	simm.s32 $0x0;
	s0 =	rddreg [dreg:$0x1b]  }
0x1ff: {  	[hbm4b:s0+s28] =	stream.linear.scatter [tilespmem:s9], [sflag:$0x8], $0x4000, $0x38;
	[tilespmem:$0x1C000] =	vst v63  }
0x200: {  	_ =	swait.ge [sflag:s14], $0x4000  }
0x201: {  	s4 =	sld [smem:$0x7F7]  }
0x202: {  	[sflag:s14] =	ssyncset.done $0x0  }
0x203: {  	s29 =	simm.s32 $0x0;
	[sflag:s14] =	ssyncadd.s32 $0xFFFFC000  }
0x204: {  	[tilespmem:s16], [sflag:$0x7] =	stream.linear.gather [hbm4b:s4+s28], $0x4000, $0x38;
	[tilespmem:$0x1C000] =	vst v63  }
0x205: {  	s5 =	sand.u32 $0x2000, s29;
	s6 =	sand.u32 $0x1C00, s28;
	_ =	swait.ge [sflag:s17], $0x4000  }
0x206: {  	s7 =	sand.u32 $0x380, s28;
	s0 =	sor.u32 s5, s6;
	[sflag:s17] =	ssyncset.done $0x0  }
0x207: {  	s4 =	sor.u32 s7, s0;
	[sflag:s17] =	ssyncadd.s32 $0xFFFFC000  }
0x208: {  	v0 =	vld [tilespmem:s4+$0x70]  }
0x209: {  	v4 =	vld [tilespmem:s4+$0x0]  }
0x20a: {  	v5 =	vld [tilespmem:s4+$0x10]  }
0x20b: {  	v6 =	vld [tilespmem:s4+$0x20]  }
0x20c: {  	v2 =	vld [tilespmem:s4+$0x30]  }
0x20d: {  	v3 =	vld [tilespmem:s4+$0x40]  }
0x20e: {  	s0 =	sor.u32 $0xC070, s4;
	v1 =	vld [tilespmem:s4+$0x60]  }
0x20f: {  	[tilespmem:s0+$0x0] =	vst.add.f32.msk $0xffff, v0  }
0x210: {  	s8 =	sor.u32 $0xC000, s4;
	v0 =	vld [tilespmem:s4+$0x50]  }
0x211: {  	s5 =	sor.u32 $0xC010, s4;
	[tilespmem:s8+$0x0] =	vst.add.f32.msk $0xffff, v4  }
0x212: {  	s30 =	simm.s32 $0x0;
	s6 =	sor.u32 $0xC020, s4;
	s3 =	sor.u32 $0xC030, s4;
	[tilespmem:s5+$0x0] =	vst.add.f32.msk $0xffff, v5  }
0x213: {  	s2 =	sor.u32 $0xC040, s4;
	s31 =	sor.u32 $0xC060, s4;
	s0 =	sor.u32 $0xC050, s4;
	[tilespmem:s6+$0x0] =	vst.add.f32.msk $0xffff, v6  }
.LBB2_24:
0x214: {  	s29 =	sadd.s32 $0x80, s29;
	[tilespmem:s3+$0x0] =	vst.add.f32.msk $0xffff, v2;
	s28 =	sadd.s32 $0x400, s28  }
0x215: {  	s30 =	sadd.s32 $0x10, s30;
	s3 =	sand.u32 $0x2000, s29;
	s4 =	sand.u32 $0x1C00, s28;
	[tilespmem:s2+$0x0] =	vst.add.f32.msk $0xffff, v3  }
0x216: {  	p0 =	slt.u32 s29, $0x3F80;
	s2 =	sor.u32 s3, s4;
	s3 =	sand.u32 $0x380, s30;
	[tilespmem:s0+$0x0] =	vst.add.f32.msk $0xffff, v0  }
0x217: {  	s4 =	sor.u32 s3, s2;
	[tilespmem:s31+$0x0] =	vst.add.f32.msk $0xffff, v1  }
0x218: {  	s5 =	sor.u32 $0xC000, s4;
	s6 =	sor.u32 $0xC010, s4;
	s7 =	sor.u32 $0xC020, s4;
	v0 =	vld [tilespmem:s4+$0x70]  }
0x219: {  	s3 =	sor.u32 $0xC030, s4;
	s2 =	sor.u32 $0xC040, s4;
	s0 =	sor.u32 $0xC050, s4;
	v4 =	vld [tilespmem:s4+$0x0]  }
0x21a: {  	s31 =	sor.u32 $0xC060, s4;
	v5 =	vld [tilespmem:s4+$0x10]  }
0x21b: {  	v6 =	vld [tilespmem:s4+$0x20]  }
0x21c: {  	s8 =	sor.u32 $0xC070, s4;
	v2 =	vld [tilespmem:s4+$0x30]  }
0x21d: {  	[tilespmem:s8+$0x0] =	vst.add.f32.msk $0xffff, v0  }
0x21e: {  	v3 =	vld [tilespmem:s4+$0x40]  }
.Ltmp11:
0x21f: {  	v0 =	vld [tilespmem:s4+$0x50];
	(pc) =	sbr.rel @p0 .LBB2_24-.Ltmp11, $4  }
0x220: {  	v1 =	vld [tilespmem:s4+$0x60]  }
0x221: {  	[tilespmem:s5+$0x0] =	vst.add.f32.msk $0xffff, v4  }
0x222: {  	[tilespmem:s6+$0x0] =	vst.add.f32.msk $0xffff, v5  }
0x223: {  	[tilespmem:s7+$0x0] =	vst.add.f32.msk $0xffff, v6  }
0x224: {  	[tilespmem:s3+$0x0] =	vst.add.f32.msk $0xffff, v2  }
0x225: {  	[tilespmem:s2+$0x0] =	vst.add.f32.msk $0xffff, v3  }
0x226: {  	[tilespmem:s0+$0x0] =	vst.add.f32.msk $0xffff, v0  }
0x227: {  	[tilespmem:s31+$0x0] =	vst.add.f32.msk $0xffff, v1  }
0x228: {  	s28 =	simm.s32 $0x0;
	s0 =	rddreg [dreg:$0x1d]  }
0x229: {  	[hbm4b:s0+s28] =	stream.linear.scatter [tilespmem:s10], [sflag:$0x9], $0x4000, $0x38;
	[tilespmem:$0x1C000] =	vst v63  }
0x22a: {  	_ =	swait.ge [sflag:s18], $0x4000  }
0x22b: {  	s4 =	sld [smem:$0x7F8]  }
0x22c: {  	[sflag:s18] =	ssyncset.done $0x0  }
0x22d: {  	[sflag:s18] =	ssyncadd.s32 $0xFFFFC000  }
0x22e: {  	[tilespmem:s9], [sflag:$0x3] =	stream.linear.gather [hbm4b:s4+s28], $0x4000, $0x38;
	[tilespmem:$0x1C000] =	vst v63  }
0x22f: {  	_ =	swait.ge [sflag:s23], $0x4000  }
0x230: {  	[sflag:s23] =	ssyncset.done $0x0  }
0x231: {  	s29 =	simm.s32 $0x0;
	[sflag:s23] =	ssyncadd.s32 $0xFFFFC000  }
0x232: {  	s5 =	sand.u32 $0x2000, s29;
	s6 =	sand.u32 $0x1C00, s28;
	_ =	swait.ge [sflag:s19], $0x4000  }
0x233: {  	s7 =	sand.u32 $0x380, s28;
	s0 =	sor.u32 s5, s6;
	[sflag:s19] =	ssyncset.done $0x0  }
0x234: {  	s4 =	sor.u32 s7, s0;
	[sflag:s19] =	ssyncadd.s32 $0xFFFFC000  }
0x235: {  	v0 =	vld [tilespmem:s4+$0x4070]  }
0x236: {  	v4 =	vld [tilespmem:s4+$0x4000]  }
0x237: {  	v5 =	vld [tilespmem:s4+$0x4010]  }
0x238: {  	v6 =	vld [tilespmem:s4+$0x4020]  }
0x239: {  	v2 =	vld [tilespmem:s4+$0x4030]  }
0x23a: {  	v3 =	vld [tilespmem:s4+$0x4040]  }
0x23b: {  	s0 =	sor.u32 $0x10070, s4;
	v1 =	vld [tilespmem:s4+$0x4060]  }
0x23c: {  	[tilespmem:s0+$0x0] =	vst.add.f32.msk $0xffff, v0  }
0x23d: {  	s8 =	sor.u32 $0x10000, s4;
	v0 =	vld [tilespmem:s4+$0x4050]  }
0x23e: {  	s5 =	sor.u32 $0x10010, s4;
	[tilespmem:s8+$0x0] =	vst.add.f32.msk $0xffff, v4  }
0x23f: {  	s30 =	simm.s32 $0x0;
	s6 =	sor.u32 $0x10020, s4;
	s3 =	sor.u32 $0x10030, s4;
	[tilespmem:s5+$0x0] =	vst.add.f32.msk $0xffff, v5  }
0x240: {  	s2 =	sor.u32 $0x10040, s4;
	s31 =	sor.u32 $0x10060, s4;
	s0 =	sor.u32 $0x10050, s4;
	[tilespmem:s6+$0x0] =	vst.add.f32.msk $0xffff, v6  }
.LBB2_26:
0x241: {  	s29 =	sadd.s32 $0x80, s29;
	[tilespmem:s3+$0x0] =	vst.add.f32.msk $0xffff, v2;
	s28 =	sadd.s32 $0x400, s28  }
0x242: {  	s30 =	sadd.s32 $0x10, s30;
	s3 =	sand.u32 $0x2000, s29;
	s4 =	sand.u32 $0x1C00, s28;
	[tilespmem:s2+$0x0] =	vst.add.f32.msk $0xffff, v3  }
0x243: {  	p0 =	slt.u32 s29, $0x3F80;
	s2 =	sor.u32 s3, s4;
	s3 =	sand.u32 $0x380, s30;
	[tilespmem:s0+$0x0] =	vst.add.f32.msk $0xffff, v0  }
0x244: {  	s4 =	sor.u32 s3, s2;
	[tilespmem:s31+$0x0] =	vst.add.f32.msk $0xffff, v1  }
0x245: {  	s5 =	sor.u32 $0x10000, s4;
	s6 =	sor.u32 $0x10010, s4;
	s7 =	sor.u32 $0x10020, s4;
	v0 =	vld [tilespmem:s4+$0x4070]  }
0x246: {  	s3 =	sor.u32 $0x10030, s4;
	s2 =	sor.u32 $0x10040, s4;
	s0 =	sor.u32 $0x10050, s4;
	v4 =	vld [tilespmem:s4+$0x4000]  }
0x247: {  	s31 =	sor.u32 $0x10060, s4;
	v5 =	vld [tilespmem:s4+$0x4010]  }
0x248: {  	v6 =	vld [tilespmem:s4+$0x4020]  }
0x249: {  	s8 =	sor.u32 $0x10070, s4;
	v2 =	vld [tilespmem:s4+$0x4030]  }
0x24a: {  	[tilespmem:s8+$0x0] =	vst.add.f32.msk $0xffff, v0  }
0x24b: {  	v3 =	vld [tilespmem:s4+$0x4040]  }
.Ltmp12:
0x24c: {  	v0 =	vld [tilespmem:s4+$0x4050];
	(pc) =	sbr.rel @p0 .LBB2_26-.Ltmp12, $4  }
0x24d: {  	v1 =	vld [tilespmem:s4+$0x4060]  }
0x24e: {  	[tilespmem:s5+$0x0] =	vst.add.f32.msk $0xffff, v4  }
0x24f: {  	[tilespmem:s6+$0x0] =	vst.add.f32.msk $0xffff, v5  }
0x250: {  	[tilespmem:s7+$0x0] =	vst.add.f32.msk $0xffff, v6  }
0x251: {  	[tilespmem:s3+$0x0] =	vst.add.f32.msk $0xffff, v2  }
0x252: {  	[tilespmem:s2+$0x0] =	vst.add.f32.msk $0xffff, v3  }
0x253: {  	[tilespmem:s0+$0x0] =	vst.add.f32.msk $0xffff, v0  }
0x254: {  	[tilespmem:s31+$0x0] =	vst.add.f32.msk $0xffff, v1  }
0x255: {  	s0 =	sld [smem:$0x7F9];
	_ =	sdelay $0x1  }
0x256: {  	s28 =	simm.s32 $0x0;
	s29 =	simm.s32 $0x0  }
0x257: {  	[hbm4b:s0+s28] =	stream.linear.scatter [tilespmem:s11], [sflag:$0xA], $0x4000, $0x38;
	[tilespmem:$0x1C000] =	vst v63  }
0x258: {  	s5 =	sand.u32 $0x2000, s29;
	s6 =	sand.u32 $0x1C00, s28;
	_ =	swait.ge [sflag:s21], $0x4000  }
0x259: {  	s7 =	sand.u32 $0x380, s28;
	s0 =	sor.u32 s5, s6;
	[sflag:s21] =	ssyncset.done $0x0  }
0x25a: {  	s4 =	sor.u32 s7, s0;
	[sflag:s21] =	ssyncadd.s32 $0xFFFFC000  }
0x25b: {  	v0 =	vld [tilespmem:s4+$0x4070]  }
0x25c: {  	v4 =	vld [tilespmem:s4+$0x4000]  }
0x25d: {  	v5 =	vld [tilespmem:s4+$0x4010]  }
0x25e: {  	v6 =	vld [tilespmem:s4+$0x4020]  }
0x25f: {  	v2 =	vld [tilespmem:s4+$0x4030]  }
0x260: {  	v3 =	vld [tilespmem:s4+$0x4040]  }
0x261: {  	s0 =	sor.u32 $0x14070, s4;
	v1 =	vld [tilespmem:s4+$0x4060]  }
0x262: {  	[tilespmem:s0+$0x0] =	vst.add.f32.msk $0xffff, v0  }
0x263: {  	s8 =	sor.u32 $0x14000, s4;
	v0 =	vld [tilespmem:s4+$0x4050]  }
0x264: {  	s5 =	sor.u32 $0x14010, s4;
	[tilespmem:s8+$0x0] =	vst.add.f32.msk $0xffff, v4  }
0x265: {  	s30 =	simm.s32 $0x0;
	s6 =	sor.u32 $0x14020, s4;
	s3 =	sor.u32 $0x14030, s4;
	[tilespmem:s5+$0x0] =	vst.add.f32.msk $0xffff, v5  }
0x266: {  	s2 =	sor.u32 $0x14040, s4;
	s31 =	sor.u32 $0x14060, s4;
	s0 =	sor.u32 $0x14050, s4;
	[tilespmem:s6+$0x0] =	vst.add.f32.msk $0xffff, v6  }
.LBB2_28:
0x267: {  	s29 =	sadd.s32 $0x80, s29;
	[tilespmem:s3+$0x0] =	vst.add.f32.msk $0xffff, v2;
	s28 =	sadd.s32 $0x400, s28  }
0x268: {  	s30 =	sadd.s32 $0x10, s30;
	s3 =	sand.u32 $0x2000, s29;
	s4 =	sand.u32 $0x1C00, s28;
	[tilespmem:s2+$0x0] =	vst.add.f32.msk $0xffff, v3  }
0x269: {  	p0 =	slt.u32 s29, $0x3F80;
	s2 =	sor.u32 s3, s4;
	s3 =	sand.u32 $0x380, s30;
	[tilespmem:s0+$0x0] =	vst.add.f32.msk $0xffff, v0  }
0x26a: {  	s4 =	sor.u32 s3, s2;
	[tilespmem:s31+$0x0] =	vst.add.f32.msk $0xffff, v1  }
0x26b: {  	s5 =	sor.u32 $0x14000, s4;
	s6 =	sor.u32 $0x14010, s4;
	s7 =	sor.u32 $0x14020, s4;
	v0 =	vld [tilespmem:s4+$0x4070]  }
0x26c: {  	s3 =	sor.u32 $0x14030, s4;
	s2 =	sor.u32 $0x14040, s4;
	s0 =	sor.u32 $0x14050, s4;
	v4 =	vld [tilespmem:s4+$0x4000]  }
0x26d: {  	s31 =	sor.u32 $0x14060, s4;
	v5 =	vld [tilespmem:s4+$0x4010]  }
0x26e: {  	v6 =	vld [tilespmem:s4+$0x4020]  }
0x26f: {  	s8 =	sor.u32 $0x14070, s4;
	v2 =	vld [tilespmem:s4+$0x4030]  }
0x270: {  	[tilespmem:s8+$0x0] =	vst.add.f32.msk $0xffff, v0  }
0x271: {  	v3 =	vld [tilespmem:s4+$0x4040]  }
.Ltmp13:
0x272: {  	v0 =	vld [tilespmem:s4+$0x4050];
	(pc) =	sbr.rel @p0 .LBB2_28-.Ltmp13, $4  }
0x273: {  	v1 =	vld [tilespmem:s4+$0x4060]  }
0x274: {  	[tilespmem:s5+$0x0] =	vst.add.f32.msk $0xffff, v4  }
0x275: {  	[tilespmem:s6+$0x0] =	vst.add.f32.msk $0xffff, v5  }
0x276: {  	[tilespmem:s7+$0x0] =	vst.add.f32.msk $0xffff, v6  }
0x277: {  	[tilespmem:s3+$0x0] =	vst.add.f32.msk $0xffff, v2  }
0x278: {  	[tilespmem:s2+$0x0] =	vst.add.f32.msk $0xffff, v3  }
0x279: {  	[tilespmem:s0+$0x0] =	vst.add.f32.msk $0xffff, v0  }
0x27a: {  	[tilespmem:s31+$0x0] =	vst.add.f32.msk $0xffff, v1  }
0x27b: {  	s0 =	sld [smem:$0x7FA];
	_ =	sdelay $0x1  }
0x27c: {  	s28 =	simm.s32 $0x0;
	s29 =	simm.s32 $0x0  }
0x27d: {  	[hbm4b:s0+s28] =	stream.linear.scatter [tilespmem:s12], [sflag:$0xB], $0x4000, $0x38;
	[tilespmem:$0x1C000] =	vst v63  }
0x27e: {  	s5 =	sand.u32 $0x2000, s29;
	s6 =	sand.u32 $0x1C00, s28;
	_ =	swait.ge [sflag:s24], $0x4000  }
0x27f: {  	s7 =	sand.u32 $0x380, s28;
	s0 =	sor.u32 s5, s6;
	[sflag:s24] =	ssyncset.done $0x0  }
0x280: {  	s4 =	sor.u32 s7, s0;
	[sflag:s24] =	ssyncadd.s32 $0xFFFFC000  }
0x281: {  	v0 =	vld [tilespmem:s4+$0x4070]  }
0x282: {  	v4 =	vld [tilespmem:s4+$0x4000]  }
0x283: {  	v5 =	vld [tilespmem:s4+$0x4010]  }
0x284: {  	v6 =	vld [tilespmem:s4+$0x4020]  }
0x285: {  	v2 =	vld [tilespmem:s4+$0x4030]  }
0x286: {  	v3 =	vld [tilespmem:s4+$0x4040]  }
0x287: {  	s0 =	sor.u32 $0x18070, s4;
	v1 =	vld [tilespmem:s4+$0x4060]  }
0x288: {  	[tilespmem:s0+$0x0] =	vst.add.f32.msk $0xffff, v0  }
0x289: {  	s8 =	sor.u32 $0x18000, s4;
	v0 =	vld [tilespmem:s4+$0x4050]  }
0x28a: {  	s5 =	sor.u32 $0x18010, s4;
	[tilespmem:s8+$0x0] =	vst.add.f32.msk $0xffff, v4  }
0x28b: {  	s30 =	simm.s32 $0x0;
	s6 =	sor.u32 $0x18020, s4;
	s3 =	sor.u32 $0x18030, s4;
	[tilespmem:s5+$0x0] =	vst.add.f32.msk $0xffff, v5  }
0x28c: {  	s2 =	sor.u32 $0x18040, s4;
	s31 =	sor.u32 $0x18060, s4;
	s0 =	sor.u32 $0x18050, s4;
	[tilespmem:s6+$0x0] =	vst.add.f32.msk $0xffff, v6  }
.LBB2_30:
0x28d: {  	s29 =	sadd.s32 $0x80, s29;
	[tilespmem:s3+$0x0] =	vst.add.f32.msk $0xffff, v2;
	s28 =	sadd.s32 $0x400, s28  }
0x28e: {  	s30 =	sadd.s32 $0x10, s30;
	s3 =	sand.u32 $0x2000, s29;
	s4 =	sand.u32 $0x1C00, s28;
	[tilespmem:s2+$0x0] =	vst.add.f32.msk $0xffff, v3  }
0x28f: {  	p0 =	slt.u32 s29, $0x3F80;
	s2 =	sor.u32 s3, s4;
	s3 =	sand.u32 $0x380, s30;
	[tilespmem:s0+$0x0] =	vst.add.f32.msk $0xffff, v0  }
0x290: {  	s4 =	sor.u32 s3, s2;
	[tilespmem:s31+$0x0] =	vst.add.f32.msk $0xffff, v1  }
0x291: {  	s5 =	sor.u32 $0x18000, s4;
	s6 =	sor.u32 $0x18010, s4;
	s7 =	sor.u32 $0x18020, s4;
	v0 =	vld [tilespmem:s4+$0x4070]  }
0x292: {  	s3 =	sor.u32 $0x18030, s4;
	s2 =	sor.u32 $0x18040, s4;
	s0 =	sor.u32 $0x18050, s4;
	v4 =	vld [tilespmem:s4+$0x4000]  }
0x293: {  	s31 =	sor.u32 $0x18060, s4;
	v5 =	vld [tilespmem:s4+$0x4010]  }
0x294: {  	v6 =	vld [tilespmem:s4+$0x4020]  }
0x295: {  	s8 =	sor.u32 $0x18070, s4;
	v2 =	vld [tilespmem:s4+$0x4030]  }
0x296: {  	[tilespmem:s8+$0x0] =	vst.add.f32.msk $0xffff, v0  }
0x297: {  	v3 =	vld [tilespmem:s4+$0x4040]  }
.Ltmp14:
0x298: {  	v0 =	vld [tilespmem:s4+$0x4050];
	(pc) =	sbr.rel @p0 .LBB2_30-.Ltmp14, $4  }
0x299: {  	v1 =	vld [tilespmem:s4+$0x4060]  }
0x29a: {  	[tilespmem:s5+$0x0] =	vst.add.f32.msk $0xffff, v4  }
0x29b: {  	[tilespmem:s6+$0x0] =	vst.add.f32.msk $0xffff, v5  }
0x29c: {  	[tilespmem:s7+$0x0] =	vst.add.f32.msk $0xffff, v6  }
0x29d: {  	[tilespmem:s3+$0x0] =	vst.add.f32.msk $0xffff, v2  }
0x29e: {  	[tilespmem:s2+$0x0] =	vst.add.f32.msk $0xffff, v3  }
0x29f: {  	[tilespmem:s0+$0x0] =	vst.add.f32.msk $0xffff, v0  }
0x2a0: {  	[tilespmem:s31+$0x0] =	vst.add.f32.msk $0xffff, v1  }
0x2a1: {  	s0 =	sld [smem:$0x7FB];
	_ =	sdelay $0x1  }
0x2a2: {  	s28 =	simm.s32 $0x0;
	s29 =	simm.s32 $0x0  }
0x2a3: {  	[hbm4b:s0+s28] =	stream.linear.scatter [tilespmem:s16], [sflag:$0xC], $0x4000, $0x38;
	[tilespmem:$0x1C000] =	vst v63  }
0x2a4: {  	s5 =	sand.u32 $0x2000, s29;
	s6 =	sand.u32 $0x1C00, s28;
	_ =	swait.ge [sflag:s15], $0x4000  }
0x2a5: {  	s7 =	sand.u32 $0x380, s28;
	s0 =	sor.u32 s5, s6;
	[sflag:s15] =	ssyncset.done $0x0  }
0x2a6: {  	s4 =	sor.u32 s7, s0;
	[sflag:s15] =	ssyncadd.s32 $0xFFFFC000  }
0x2a7: {  	v0 =	vld [tilespmem:s4+$0x4070]  }
0x2a8: {  	v4 =	vld [tilespmem:s4+$0x4000]  }
0x2a9: {  	v5 =	vld [tilespmem:s4+$0x4010]  }
0x2aa: {  	v6 =	vld [tilespmem:s4+$0x4020]  }
0x2ab: {  	v2 =	vld [tilespmem:s4+$0x4030]  }
0x2ac: {  	v3 =	vld [tilespmem:s4+$0x4040]  }
0x2ad: {  	s0 =	sor.u32 $0x8070, s4;
	v1 =	vld [tilespmem:s4+$0x4060]  }
0x2ae: {  	[tilespmem:s0+$0x0] =	vst.add.f32.msk $0xffff, v0  }
0x2af: {  	s8 =	sor.u32 $0x8000, s4;
	v0 =	vld [tilespmem:s4+$0x4050]  }
0x2b0: {  	s5 =	sor.u32 $0x8010, s4;
	[tilespmem:s8+$0x0] =	vst.add.f32.msk $0xffff, v4  }
0x2b1: {  	s30 =	simm.s32 $0x0;
	s6 =	sor.u32 $0x8020, s4;
	s3 =	sor.u32 $0x8030, s4;
	[tilespmem:s5+$0x0] =	vst.add.f32.msk $0xffff, v5  }
0x2b2: {  	s2 =	sor.u32 $0x8040, s4;
	s31 =	sor.u32 $0x8060, s4;
	s0 =	sor.u32 $0x8050, s4;
	[tilespmem:s6+$0x0] =	vst.add.f32.msk $0xffff, v6  }
.LBB2_32:
0x2b3: {  	s29 =	sadd.s32 $0x80, s29;
	[tilespmem:s3+$0x0] =	vst.add.f32.msk $0xffff, v2;
	s28 =	sadd.s32 $0x400, s28  }
0x2b4: {  	s30 =	sadd.s32 $0x10, s30;
	s3 =	sand.u32 $0x2000, s29;
	s4 =	sand.u32 $0x1C00, s28;
	[tilespmem:s2+$0x0] =	vst.add.f32.msk $0xffff, v3  }
0x2b5: {  	p0 =	slt.u32 s29, $0x3F80;
	s2 =	sor.u32 s3, s4;
	s3 =	sand.u32 $0x380, s30;
	[tilespmem:s0+$0x0] =	vst.add.f32.msk $0xffff, v0  }
0x2b6: {  	s4 =	sor.u32 s3, s2;
	[tilespmem:s31+$0x0] =	vst.add.f32.msk $0xffff, v1  }
0x2b7: {  	s5 =	sor.u32 $0x8000, s4;
	s6 =	sor.u32 $0x8010, s4;
	s7 =	sor.u32 $0x8020, s4;
	v0 =	vld [tilespmem:s4+$0x4070]  }
0x2b8: {  	s3 =	sor.u32 $0x8030, s4;
	s2 =	sor.u32 $0x8040, s4;
	s0 =	sor.u32 $0x8050, s4;
	v4 =	vld [tilespmem:s4+$0x4000]  }
0x2b9: {  	s31 =	sor.u32 $0x8060, s4;
	v5 =	vld [tilespmem:s4+$0x4010]  }
0x2ba: {  	v6 =	vld [tilespmem:s4+$0x4020]  }
0x2bb: {  	s8 =	sor.u32 $0x8070, s4;
	v2 =	vld [tilespmem:s4+$0x4030]  }
0x2bc: {  	[tilespmem:s8+$0x0] =	vst.add.f32.msk $0xffff, v0  }
0x2bd: {  	v3 =	vld [tilespmem:s4+$0x4040]  }
.Ltmp15:
0x2be: {  	v0 =	vld [tilespmem:s4+$0x4050];
	(pc) =	sbr.rel @p0 .LBB2_32-.Ltmp15, $4  }
0x2bf: {  	v1 =	vld [tilespmem:s4+$0x4060]  }
0x2c0: {  	[tilespmem:s5+$0x0] =	vst.add.f32.msk $0xffff, v4  }
0x2c1: {  	[tilespmem:s6+$0x0] =	vst.add.f32.msk $0xffff, v5  }
0x2c2: {  	[tilespmem:s7+$0x0] =	vst.add.f32.msk $0xffff, v6  }
0x2c3: {  	[tilespmem:s3+$0x0] =	vst.add.f32.msk $0xffff, v2  }
0x2c4: {  	[tilespmem:s2+$0x0] =	vst.add.f32.msk $0xffff, v3  }
0x2c5: {  	[tilespmem:s0+$0x0] =	vst.add.f32.msk $0xffff, v0  }
0x2c6: {  	[tilespmem:s31+$0x0] =	vst.add.f32.msk $0xffff, v1  }
0x2c7: {  	s0 =	sld [smem:$0x7FC];
	_ =	sdelay $0x2  }
0x2c8: {  	[hbm4b:s0+s1] =	stream.linear.scatter [tilespmem:s9], [sflag:$0x8], $0x4000, $0x38;
	[tilespmem:$0x1C000] =	vst v63  }
0x2c9: {  	_ =	swait.ge [sflag:s20], $0x4000  }
0x2ca: {  	[sflag:s20] =	ssyncset.done $0x0  }
0x2cb: {  	[sflag:s20] =	ssyncadd.s32 $0xFFFFC000  }
0x2cc: {  	_ =	swait.ge [sflag:s22], $0x4000  }
0x2cd: {  	[sflag:s22] =	ssyncset.done $0x0  }
0x2ce: {  	[sflag:s22] =	ssyncadd.s32 $0xFFFFC000  }
0x2cf: {  	_ =	swait.ge [sflag:s25], $0x4000  }
0x2d0: {  	[sflag:s25] =	ssyncset.done $0x0  }
0x2d1: {  	[sflag:s25] =	ssyncadd.s32 $0xFFFFC000  }
0x2d2: {  	_ =	swait.ge [sflag:s14], $0x4000  }
0x2d3: {  	[sflag:s14] =	ssyncset.done $0x0  }
0x2d4: {  	[sflag:s14] =	ssyncadd.s32 $0xFFFFC000  }
0x2d5: {  	_ =	swait.ge [sflag:s18], $0x4000  }
0x2d6: {  	s31 =	sld [smem:$0x7FD];
	_ =	sdelay $0x1  }
0x2d7: {  	s26 =	sadd.s32 $0x1, s26  }
0x2d8: {  	p0 =	sne.s32 s26, s31  }
.Ltmp16:
0x2d9: {  	_ = 	snop;
	(pc) =	sbr.rel @p0 .LBB2_1-.Ltmp16, $3  }
0x2da: {  	_ =	sdelay $0x1  }
0x2db: {  	[sflag:s18] =	ssyncset.done $0x0  }
0x2dc: {  	[sflag:s18] =	ssyncadd.s32 $0xFFFFC000  }
0x2dd: {  	_ =	sfence.sel $0x180000  }
0x2de: {  	[bflag:$0x0] =	sbarrier.arrive $0xFFFF  }
0x2df: {  	_ =	strace $0x90000047  }
0x2e0: {  	s0 =	stileid.u32;
	[bflag:$0x2] =	sbarrier.arrive $0xFFFF  }
0x2e1: {  	p0 =	sne.s32 s0, $0x0;
	s0 =	rddreg [dreg:$0x3]  }
0x2e2: {  	s0 =	sadd.s32 @!p0 $0x100000, s0  }
0x2e3: {  	[sflag:s0] =	ssyncadd.tile.s32 @!p0 $0x1;
	_ =	shalt  }
.Lfunc_end2:
_tile_overlayer_lowered:
.L_overlay_start_2:
0x2e4: {  	(tag) =	ssettag $0x2  }
0x2e5: {  	s0 =	rddreg [dreg:$0x0];
	s2 =	stileid.u32  }
0x2e6: {  	s1 =	rddreg [dreg:$0x1];
	p0 =	sne.s32 s2, $0x0  }
0x2e7: {  	s3 =	rddreg [dreg:$0x2];
	[bflag:$0x3] =	sbarrier.arrive $0xFFFF;
	s2 =	simm.s32 @!p0 $0x1C0D  }
0x2e8: {  	[timem:s3], [sflag:s2] =	dma.local @!p0 [hbm:s0], s1  }
0x2e9: {  	s0 =	simm.s32 @!p0 $0xD  }
0x2ea: {  	_ =	swait.ge @!p0 [sflag:s0], s1  }
0x2eb: {  	s1 =	ssub.s32 @!p0 $0x0, s1;
	[sflag:s0] =	ssyncset.done @!p0 $0x0  }
0x2ec: {  	[sflag:s0] =	ssyncadd.s32 @!p0 s1  }
0x2ed: {  	[bflag:$0x3] =	sbarrier.arrive $0xFFFF  }
0x2ee: {  	_ =	shalt  }

</sc_bundles>
